<compile_context>
chip_gen: v7x
topology: tpu7x:2x2x1
jax: 0.10.2.dev20260603
libtpu: 0.0.44.dev20260713+nightly
codegen_flags: <defaults>
</compile_context>

<pallas_src>
import jax
import jax.numpy as jnp
from jax import lax
from jax.experimental import pallas as pl
from jax.experimental.pallas import tpu as pltpu
from jax.experimental.pallas import tpu_sc as plsc

T = 2048
D = 2048
E = 8
F = 1408
K = 2
RB = 128
NBLK = 40
NROWS = NBLK * RB
NC = 2
NS = 16
NW = NC * NS
LANES = 16

_f32 = jnp.float32
_i32 = jnp.int32
_u32 = jnp.uint32
_u16 = jnp.uint16
_DWORDS = D // 2


def _pack_cols(xb):
    lo = lax.bitcast_convert_type(xb[:, :_DWORDS], _u16).astype(_u32)
    hi = lax.bitcast_convert_type(xb[:, _DWORDS:], _u16).astype(_u32)
    return lax.bitcast_convert_type((hi << 16) | lo, _i32)


def _unpack_cols(w):
    wu = lax.bitcast_convert_type(w, _u32)
    lo = lax.bitcast_convert_type((wu & 0xFFFF).astype(_u16), jnp.bfloat16)
    hi = lax.bitcast_convert_type((wu >> 16).astype(_u16), jnp.bfloat16)
    return jnp.concatenate([lo, hi], axis=1)


def _router_body(x_ref, g_ref, s1_ref, s2_ref, p1_ref, p2_ref, be_ref,
                 xw_ref):
    x = x_ref[...]
    xw_ref[...] = _pack_cols(x.astype(jnp.bfloat16))
    g = g_ref[...]
    logits = jnp.dot(x, g, preferred_element_type=_f32)
    lane = lax.broadcasted_iota(_i32, logits.shape, 1)
    logits = jnp.where(lane < E, logits, -1e30)
    m = jnp.max(logits, axis=1, keepdims=True)
    p = jnp.exp(logits - m)
    p = jnp.where(lane < E, p, 0.0)
    s = p / jnp.sum(p, axis=1, keepdims=True)
    m1 = jnp.max(s, axis=1, keepdims=True)
    i1 = jnp.min(jnp.where(s >= m1, lane, 128), axis=1, keepdims=True)
    s_x = jnp.where(lane == i1, -1.0, s)
    m2 = jnp.max(s_x, axis=1, keepdims=True)
    i2 = jnp.min(jnp.where(s_x >= m2, lane, 128), axis=1, keepdims=True)
    s1_ref[...] = m1
    s2_ref[...] = m2

    bf = jnp.bfloat16
    r0 = lax.broadcasted_iota(_i32, (T, T), 0)
    c0 = lax.broadcasted_iota(_i32, (T, T), 1)
    tm = (r0 >= c0).astype(bf)
    m1h = (lane == i1).astype(bf)
    m2h = (lane == i2).astype(bf)
    cum1 = jnp.dot(tm, m1h, preferred_element_type=_f32)
    cum2 = jnp.dot(tm, m2h, preferred_element_type=_f32)
    cnt1 = cum1[T - 1:T, :]
    counts = (cnt1 + cum2[T - 1:T, :]).astype(_i32)
    padded = ((counts + (RB - 1)) >> 7) << 7
    ru = lax.broadcasted_iota(_i32, (128, 128), 0)
    cu = lax.broadcasted_iota(_i32, (128, 128), 1)
    sut = (ru < cu).astype(_f32)
    offs = jnp.dot(padded.astype(_f32), sut, preferred_element_type=_f32,
                   precision=lax.Precision.HIGHEST)
    m1f = m1h.astype(_f32)
    m2f = m2h.astype(_f32)
    rank1 = jnp.sum(m1f * cum1, axis=1, keepdims=True) - 1.0
    rank2 = (jnp.sum(m2f * (cum2 + cnt1), axis=1, keepdims=True) - 1.0)
    off1 = jnp.sum(m1f * offs, axis=1, keepdims=True)
    off2 = jnp.sum(m2f * offs, axis=1, keepdims=True)
    p1_ref[...] = (off1 + rank1).astype(_i32)
    p2_ref[...] = (off2 + rank2).astype(_i32)
    ends = offs + padded.astype(_f32)
    bpos = (lax.broadcasted_iota(_i32, (128, 128), 0) * RB).astype(_f32)
    ge = jnp.logical_and(bpos >= ends, lane[:128, :] < E).astype(_i32)
    be = jnp.sum(ge, axis=1, keepdims=True)
    be_ref[...] = jnp.minimum(be, E - 1)


def _router(xf, gate_padded):
    return pl.pallas_call(
        _router_body,
        out_shape=(
            jax.ShapeDtypeStruct((T, 1), _f32),
            jax.ShapeDtypeStruct((T, 1), _f32),
            jax.ShapeDtypeStruct((T, 1), _i32),
            jax.ShapeDtypeStruct((T, 1), _i32),
            jax.ShapeDtypeStruct((128, 1), _i32),
            jax.ShapeDtypeStruct((T, _DWORDS), _i32),
        ),
        compiler_params=pltpu.CompilerParams(
            vmem_limit_bytes=60 * 1024 * 1024),
    )(xf, gate_padded)


_HALF = NROWS
_DCH = 40
_DW = D // 2
_bf16 = jnp.bfloat16


def _make_dispatch_body(lo):
    def body(p1_hbm, p2_hbm, x_hbm, rin_hbm,
             posn_v, gidx_v, rows0_v, rows1_v,
             sg0, sg1, sw0, sw1):
        wid = lax.axis_index("s") * NC + lax.axis_index("c")
        iota = lax.iota(_i32, LANES)

        pltpu.sync_copy(p1_hbm, posn_v.at[pl.ds(0, T)])
        pltpu.sync_copy(p2_hbm, posn_v.at[pl.ds(T, T)])

        def bodyz(q, _):
            gidx_v[pl.ds(q * LANES, LANES)] = jnp.zeros((LANES,), _i32)
            return 0
        lax.fori_loop(0, NROWS // LANES, bodyz, 0)

        def body2(p, base):
            pos = posn_v[pl.ds(p * LANES, LANES)]
            tok = (iota + base) & (T - 1)
            plsc.store_scatter(gidx_v, [pos], tok)
            return base + LANES
        lax.fori_loop(0, (T * K) // LANES, body2,
                      jnp.zeros((LANES,), _i32))

        rows_per_w = _HALF // NW
        n = rows_per_w // _DCH
        base = wid * rows_per_w
        rows = (rows0_v, rows1_v)
        sg = (sg0, sg1)
        sw = (sw0, sw1)
        hg = {}
        hw = {}
        for c in range(n):
            p = c % 2
            if c >= 2:
                hw[c - 2].wait()
            hg[c] = pltpu.make_async_copy(
                x_hbm.at[gidx_v.at[pl.ds(lo + base + c * _DCH, _DCH)]],
                rows[p], sg[p])
            hg[c].start()
            if c >= 1:
                qq = (c - 1) % 2
                hg[c - 1].wait()
                hw[c - 1] = pltpu.make_async_copy(
                    rows[qq],
                    rin_hbm.at[pl.ds(base + (c - 1) * _DCH, _DCH)], sw[qq])
                hw[c - 1].start()
        hg[n - 1].wait()
        hw[n - 1] = pltpu.make_async_copy(
            rows[(n - 1) % 2],
            rin_hbm.at[pl.ds(base + (n - 1) * _DCH, _DCH)], sw[(n - 1) % 2])
        hw[n - 1].start()
        for c in (n - 2, n - 1):
            hw[c].wait()
    return body


def _dispatch_half(p1f, p2f, xb3, lo):
    mesh = plsc.VectorSubcoreMesh(core_axis_name="c", subcore_axis_name="s")
    fn = pl.kernel(
        _make_dispatch_body(lo),
        mesh=mesh,
        compiler_params=pltpu.CompilerParams(needs_layout_passes=False),
        out_type=jax.ShapeDtypeStruct((_HALF, _DW), _i32),
        scratch_types=[
            pltpu.VMEM((T * K,), _i32),
            pltpu.VMEM((NROWS,), _i32),
            pltpu.VMEM((_DCH, _DW), _i32),
            pltpu.VMEM((_DCH, _DW), _i32),
            pltpu.SemaphoreType.DMA,
            pltpu.SemaphoreType.DMA,
            pltpu.SemaphoreType.DMA,
            pltpu.SemaphoreType.DMA,
        ],
    )
    return fn(p1f, p2f, xb3)


def _ffn_body(bexp_ref, rin_ref, w1_ref, w3_ref, w2_ref, out_ref):
    r = _unpack_cols(rin_ref[...])
    w1 = w1_ref[0]
    w3 = w3_ref[0]
    w2 = w2_ref[0]
    a = jnp.dot(r, w1, preferred_element_type=_f32)
    b = jnp.dot(r, w3, preferred_element_type=_f32)
    h = a * (1.0 / (1.0 + jnp.exp(-a))) * b
    o = jnp.dot(h.astype(_bf16), w2, preferred_element_type=_f32)
    out_ref[...] = _pack_cols(o.astype(_bf16))


def _ffn_half(bexp, rin_half, w1, w3, w2, bbase):
    grid_spec = pltpu.PrefetchScalarGridSpec(
        num_scalar_prefetch=1,
        grid=(NBLK,),
        in_specs=[
            pl.BlockSpec((RB, _DWORDS), lambda i, b: (i, 0)),
            pl.BlockSpec((1, D, F), lambda i, b: (b[bbase + i], 0, 0)),
            pl.BlockSpec((1, D, F), lambda i, b: (b[bbase + i], 0, 0)),
            pl.BlockSpec((1, F, D), lambda i, b: (b[bbase + i], 0, 0)),
        ],
        out_specs=pl.BlockSpec((RB, _DWORDS), lambda i, b: (i, 0)),
    )
    return pl.pallas_call(
        _ffn_body,
        grid_spec=grid_spec,
        out_shape=jax.ShapeDtypeStruct((_HALF, _DWORDS), _i32),
        compiler_params=pltpu.CompilerParams(
            vmem_limit_bytes=62 * 1024 * 1024),
    )(bexp, rin_half, w1, w3, w2)


_GCH = 32


def _cgather_body(rout_hbm, p1_hbm, p2_hbm, o1_hbm, o2_hbm,
                  idx0_v, idx1_v, rows0_v, rows1_v, sg0, sg1, sw0, sw1):
    wid = lax.axis_index("s") * NC + lax.axis_index("c")
    per_w = T // NW
    nh = per_w // _GCH
    base = wid * per_w
    idx = (idx0_v, idx1_v)
    rows = (rows0_v, rows1_v)
    sg = (sg0, sg1)
    sw = (sw0, sw1)
    plan = [(p1_hbm, o1_hbm, base + c * _GCH) for c in range(nh)]
    plan += [(p2_hbm, o2_hbm, base + c * _GCH) for c in range(nh)]
    n = len(plan)
    hg = {}
    hw = {}
    for c, (p_hbm, o_hbm, cb) in enumerate(plan):
        p = c % 2
        if c >= 2:
            hw[c - 2].wait()
        pltpu.sync_copy(p_hbm.at[pl.ds(cb, _GCH)], idx[p])
        hg[c] = pltpu.make_async_copy(rout_hbm.at[idx[p]], rows[p], sg[p])
        hg[c].start()
        if c >= 1:
            q = (c - 1) % 2
            _, o_prev, cb_prev = plan[c - 1]
            hg[c - 1].wait()
            hw[c - 1] = pltpu.make_async_copy(
                rows[q], o_prev.at[pl.ds(cb_prev, _GCH)], sw[q])
            hw[c - 1].start()
    _, o_last, cb_last = plan[n - 1]
    hg[n - 1].wait()
    hw[n - 1] = pltpu.make_async_copy(
        rows[(n - 1) % 2], o_last.at[pl.ds(cb_last, _GCH)], sw[(n - 1) % 2])
    hw[n - 1].start()
    hw[n - 2].wait()
    hw[n - 1].wait()


def _cgather(rout3, p1f, p2f):
    mesh = plsc.VectorSubcoreMesh(core_axis_name="c", subcore_axis_name="s")
    fn = pl.kernel(
        _cgather_body,
        mesh=mesh,
        compiler_params=pltpu.CompilerParams(needs_layout_passes=False),
        out_type=(
            jax.ShapeDtypeStruct((T, _DW), _i32),
            jax.ShapeDtypeStruct((T, _DW), _i32),
        ),
        scratch_types=[
            pltpu.VMEM((_GCH,), _i32),
            pltpu.VMEM((_GCH,), _i32),
            pltpu.VMEM((_GCH, _DW), _i32),
            pltpu.VMEM((_GCH, _DW), _i32),
            pltpu.SemaphoreType.DMA,
            pltpu.SemaphoreType.DMA,
            pltpu.SemaphoreType.DMA,
            pltpu.SemaphoreType.DMA,
        ],
    )
    return fn(rout3, p1f, p2f)


def _combine_body(xb_ref, sw1_ref, sw3_ref, sw2_ref, o1_ref, o2_ref,
                  s1_ref, s2_ref, out_ref):
    x = xb_ref[...]
    a = jnp.dot(x, sw1_ref[...], preferred_element_type=_f32)
    b = jnp.dot(x, sw3_ref[...], preferred_element_type=_f32)
    h = a * (1.0 / (1.0 + jnp.exp(-a))) * b
    sh = jnp.dot(h.astype(_bf16), sw2_ref[...], preferred_element_type=_f32)
    o1 = _unpack_cols(o1_ref[...]).astype(_f32)
    o2 = _unpack_cols(o2_ref[...]).astype(_f32)
    out_ref[...] = sh + s1_ref[...] * o1 + s2_ref[...] * o2


def _combine(xb, sw1, sw3, sw2, o1, o2, s1, s2):
    nb = 16
    rb = T // nb
    return pl.pallas_call(
        _combine_body,
        grid=(nb,),
        in_specs=[
            pl.BlockSpec((rb, D), lambda i: (i, 0)),
            pl.BlockSpec((D, F), lambda i: (0, 0)),
            pl.BlockSpec((D, F), lambda i: (0, 0)),
            pl.BlockSpec((F, D), lambda i: (0, 0)),
            pl.BlockSpec((rb, _DWORDS), lambda i: (i, 0)),
            pl.BlockSpec((rb, _DWORDS), lambda i: (i, 0)),
            pl.BlockSpec((rb, 1), lambda i: (i, 0)),
            pl.BlockSpec((rb, 1), lambda i: (i, 0)),
        ],
        out_specs=pl.BlockSpec((rb, D), lambda i: (i, 0)),
        out_shape=jax.ShapeDtypeStruct((T, D), _f32),
        compiler_params=pltpu.CompilerParams(
            vmem_limit_bytes=62 * 1024 * 1024),
    )(xb, sw1, sw3, sw2, o1, o2, s1, s2)


def kernel(x, gate, w1, w2, w3, sw1, sw2, sw3):
    xf = x.reshape(T, D)
    gate_padded = jnp.pad(gate, ((0, 0), (0, 128 - E)))
    s1, s2, pos1, pos2, bexp, xw = _router(xf, gate_padded)
    p1f = pos1.reshape(T)
    p2f = pos2.reshape(T)
    bexp128 = bexp.reshape(128)
    w1b = w1.astype(_bf16)
    w3b = w3.astype(_bf16)
    w2b = w2.astype(_bf16)
    rin = _dispatch_half(p1f, p2f, xw, 0)
    rout = _ffn_half(bexp128, rin, w1b, w3b, w2b, 0)
    o1, o2 = _cgather(rout, p1f, p2f)
    out = _combine(xf.astype(_bf16), sw1.astype(_bf16), sw3.astype(_bf16),
                   sw2.astype(_bf16), o1, o2, s1, s2)
    return out.reshape(1, T, D)

# --- scband reference (transcript-rebuilt; emitter-appended) ---
"""Pipeline reference for scband-deepseek-v3-mo-e-19550691131495 (READ-ONLY COPY).

The authoritative reference and input builder live on the scoring server;
editing this copy changes nothing except your own understanding.
"""

import jax, jax.numpy as jnp
import numpy as np

B, S, D, E, F, K = 1, 2048, 2048, 8, 1408, 2


def setup_inputs(seed: int = 0) -> dict:
    key = jax.random.key(seed)
    ks = jax.random.split(key, 8)
    x = jax.random.normal(ks[0], (B, S, D), dtype=jnp.float32)
    gate = jax.random.normal(ks[1], (D, E), dtype=jnp.float32) * 0.02
    w1 = jax.random.normal(ks[2], (E, D, F), dtype=jnp.float32) * 0.02
    w2 = jax.random.normal(ks[3], (E, F, D), dtype=jnp.float32) * 0.02
    w3 = jax.random.normal(ks[4], (E, D, F), dtype=jnp.float32) * 0.02
    sw1 = jax.random.normal(ks[5], (D, F), dtype=jnp.float32) * 0.02
    sw2 = jax.random.normal(ks[6], (F, D), dtype=jnp.float32) * 0.02
    sw3 = jax.random.normal(ks[7], (D, F), dtype=jnp.float32) * 0.02
    return {"x": x, "gate": gate, "w1": w1, "w2": w2, "w3": w3,
            "sw1": sw1, "sw2": sw2, "sw3": sw3}


def reference(x, gate, w1, w2, w3, sw1, sw2, sw3):
    # DeepseekV3MoE: router -> sorted token dispatch -> grouped expert FFN
    # -> scale by router scores on OUTPUT -> scatter-add onto shared-expert output.
    b, s, d = x.shape
    T = b * s
    xf = x.reshape(T, d)
    # Router (token-choice top-k): logits -> softmax scores -> top_k
    logits = xf @ gate
    scores = jax.nn.softmax(logits, axis=-1)
    top_scores, top_idx = jax.lax.top_k(scores, K)  # [T, K]
    expert_ids = top_idx.reshape(-1)                 # [T*K]
    token_ids = jnp.repeat(jnp.arange(T), K)         # [T*K]
    order = jnp.argsort(expert_ids, stable=True)     # sort tokens by expert
    sorted_token = token_ids[order]
    sorted_scores = top_scores.reshape(-1)[order]
    sorted_expert = expert_ids[order]                # expert id per sorted row
    # Gather routed input (torch.gather with expanded token indices)
    routed_input = xf[sorted_token]
    # Grouped experts: each sorted row is processed by its routed expert;
    # fixed-shape masked dispatch over the static expert count E.
    routed_output = jnp.zeros((T * K, d), dtype=routed_input.dtype)
    for e in range(E):
        h = jax.nn.silu(routed_input @ w1[e]) * (routed_input @ w3[e])
        o = h @ w2[e]
        routed_output = jnp.where((sorted_expert == e)[:, None], o, routed_output)
    routed_output = routed_output * sorted_scores[:, None]
    # Shared expert applied to all tokens
    shared = (jax.nn.silu(xf @ sw1) * (xf @ sw3)) @ sw2
    # scatter_add_ routed outputs back onto token positions
    out = shared.at[sorted_token].add(routed_output)
    return out.reshape(b, s, d)

if __name__ == "__main__":
    import jax
    _d = setup_inputs()
    print(jax.jit(kernel)(*tuple(_d.values())))

</pallas_src>

<mosaic_0001>
#map = affine_map<(d0, d1) -> (0)>
#map1 = affine_map<(d0, d1) -> (0, 0)>
module attributes {stable_mosaic.version = 14 : i64} {
  func.func @body(%arg0: i32, %arg1: i32, %arg2: memref<2048xi32, #tpu.memory_space<hbm>>, %arg3: memref<2048xi32, #tpu.memory_space<hbm>>, %arg4: memref<2048x1024xi32, #tpu.memory_space<hbm>>, %arg5: memref<5120x1024xi32, #tpu.memory_space<hbm>>, %arg6: memref<4096xi32, #tpu.memory_space<vmem>>, %arg7: memref<5120xi32, #tpu.memory_space<vmem>>, %arg8: memref<40x1024xi32, #tpu.memory_space<vmem>>, %arg9: memref<40x1024xi32, #tpu.memory_space<vmem>>, %arg10: memref<!tpu.dma_semaphore, #tpu.memory_space<semaphore_mem>>, %arg11: memref<!tpu.dma_semaphore, #tpu.memory_space<semaphore_mem>>, %arg12: memref<!tpu.dma_semaphore, #tpu.memory_space<semaphore_mem>>, %arg13: memref<!tpu.dma_semaphore, #tpu.memory_space<semaphore_mem>>) attributes {dimension_semantics = [#tpu.dimension_semantics<core_parallel>, #tpu.dimension_semantics<subcore_parallel>], iteration_bounds = array<i64: 2, 16>, scalar_prefetch = 0 : i64, scratch_operands = 8 : i64, tpu.core_type = #tpu.core_type<sc_vector_subcore>, window_params = [{transform_indices = #map}, {transform_indices = #map}, {transform_indices = #map1}, {transform_indices = #map1}]} {
    %mul3A = arith.constant 2 : i32
    %mul3A_0 = arith.muli %arg1, %mul3A : i32
    %add3A = arith.addi %mul3A_0, %arg0 : i32
    %iota3A = tpu.iota {dimensions = array<i32: 0>} : vector<16xi32>
    "tpu.region"() ({
      %run_scoped3A = tpu.sem_alloc : memref<!tpu.dma_semaphore, #tpu.memory_space<semaphore_mem>>
      %dma_start3A_102 = arith.constant 0 : i32
      %dma_start3A_103 = tpu.memref_slice %arg6[%dma_start3A_102] : memref<4096xi32, #tpu.memory_space<vmem>> -> memref<2048xi32, #tpu.memory_space<vmem>>
      %dma_start3A_104 = arith.constant 0 : i32
      %dma_start3A_105 = tpu.memref_slice %arg6[%dma_start3A_104] : memref<4096xi32, #tpu.memory_space<vmem>> -> memref<2048xi32, #tpu.memory_space<vmem>>
      tpu.enqueue_dma source(%arg2 : memref<2048xi32, #tpu.memory_space<hbm>>) target(%dma_start3A_105 : memref<2048xi32, #tpu.memory_space<vmem>>) target_semaphore(%run_scoped3A : memref<!tpu.dma_semaphore, #tpu.memory_space<semaphore_mem>>)
      %dma_wait3A_106 = arith.constant 0 : i32
      %dma_wait3A_107 = tpu.memref_slice %arg6[%dma_wait3A_106] : memref<4096xi32, #tpu.memory_space<vmem>> -> memref<2048xi32, #tpu.memory_space<vmem>>
      %dma_wait3A_108 = arith.constant 0 : i32
      %dma_wait3A_109 = tpu.memref_slice %arg6[%dma_wait3A_108] : memref<4096xi32, #tpu.memory_space<vmem>> -> memref<2048xi32, #tpu.memory_space<vmem>>
      tpu.wait_dma2 semaphore(%run_scoped3A : memref<!tpu.dma_semaphore, #tpu.memory_space<semaphore_mem>>) src(%arg2 : memref<2048xi32, #tpu.memory_space<hbm>>) dst(%dma_wait3A_109 : memref<2048xi32, #tpu.memory_space<vmem>>)
      tpu.yield
    }) : () -> ()
    "tpu.region"() ({
      %run_scoped3A = tpu.sem_alloc : memref<!tpu.dma_semaphore, #tpu.memory_space<semaphore_mem>>
      %dma_start3A_102 = arith.constant 2048 : i32
      %dma_start3A_103 = tpu.memref_slice %arg6[%dma_start3A_102] : memref<4096xi32, #tpu.memory_space<vmem>> -> memref<2048xi32, #tpu.memory_space<vmem>>
      %dma_start3A_104 = arith.constant 2048 : i32
      %dma_start3A_105 = tpu.memref_slice %arg6[%dma_start3A_104] : memref<4096xi32, #tpu.memory_space<vmem>> -> memref<2048xi32, #tpu.memory_space<vmem>>
      tpu.enqueue_dma source(%arg3 : memref<2048xi32, #tpu.memory_space<hbm>>) target(%dma_start3A_105 : memref<2048xi32, #tpu.memory_space<vmem>>) target_semaphore(%run_scoped3A : memref<!tpu.dma_semaphore, #tpu.memory_space<semaphore_mem>>)
      %dma_wait3A_106 = arith.constant 2048 : i32
      %dma_wait3A_107 = tpu.memref_slice %arg6[%dma_wait3A_106] : memref<4096xi32, #tpu.memory_space<vmem>> -> memref<2048xi32, #tpu.memory_space<vmem>>
      %dma_wait3A_108 = arith.constant 2048 : i32
      %dma_wait3A_109 = tpu.memref_slice %arg6[%dma_wait3A_108] : memref<4096xi32, #tpu.memory_space<vmem>> -> memref<2048xi32, #tpu.memory_space<vmem>>
      tpu.wait_dma2 semaphore(%run_scoped3A : memref<!tpu.dma_semaphore, #tpu.memory_space<semaphore_mem>>) src(%arg3 : memref<2048xi32, #tpu.memory_space<hbm>>) dst(%dma_wait3A_109 : memref<2048xi32, #tpu.memory_space<vmem>>)
      tpu.yield
    }) : () -> ()
    %scan3A = arith.constant 0 : i32
    %scan3A_1 = arith.constant 0 : i32
    %scan3A_2 = arith.constant 320 : i32
    %scan3A_3 = arith.addi %scan3A_1, %scan3A_2 : i32
    %scan3A_4 = arith.constant 1 : i32
    %scan3A_5 = scf.for %scan3A_102 = %scan3A_1 to %scan3A_3 step %scan3A_4 iter_args(%scan3A_103 = %scan3A) -> (i32)  : i32 {
      %broadcast_in_dim3A_104 = arith.constant 0 : i32
      %broadcast_in_dim3A_105 = vector.broadcast %broadcast_in_dim3A_104 : i32 to vector<16xi32>
      %mul3A_106 = arith.constant 16 : i32
      %mul3A_107 = arith.muli %scan3A_102, %mul3A_106 : i32
      %swap3A = arith.index_cast %mul3A_107 : i32 to index
      %swap3A_108 = tpu.vector_load %arg7[%swap3A] {strides = array<i32>} : memref<5120xi32, #tpu.memory_space<vmem>>, vector<16xi32>,
      tpu.vector_store %arg7[%swap3A], %broadcast_in_dim3A_105 {strides = array<i32>} : memref<5120xi32, #tpu.memory_space<vmem>>, vector<16xi32>,
      %scan3A_109 = arith.constant 0 : i32
      scf.yield %scan3A_109 : i32
    }
    %scan3A_6 = arith.constant 320 : i32
    %broadcast_in_dim3A = arith.constant 0 : i32
    %broadcast_in_dim3A_7 = vector.broadcast %broadcast_in_dim3A : i32 to vector<16xi32>
    %scan3A_8 = arith.constant 0 : i32
    %scan3A_9 = arith.constant 256 : i32
    %scan3A_10 = arith.addi %scan3A_8, %scan3A_9 : i32
    %scan3A_11 = arith.constant 1 : i32
    %scan3A_12 = scf.for %scan3A_102 = %scan3A_8 to %scan3A_10 step %scan3A_11 iter_args(%scan3A_103 = %broadcast_in_dim3A_7) -> (vector<16xi32>)  : i32 {
      %mul3A_104 = arith.constant 16 : i32
      %mul3A_105 = arith.muli %scan3A_102, %mul3A_104 : i32
      %get3A = arith.index_cast %mul3A_105 : i32 to index
      %get3A_106 = tpu.vector_load %arg6[%get3A] {strides = array<i32>} : memref<4096xi32, #tpu.memory_space<vmem>>, vector<16xi32>,
      %add3A_107 = arith.addi %iota3A, %scan3A_103 : vector<16xi32>
      %and3A = arith.constant 2047 : i32
      %and3A_108 = vector.broadcast %and3A : i32 to vector<16xi32>
      %and3A_109 = arith.andi %add3A_107, %and3A_108 : vector<16xi32>
      tpu.vector_store_idx %arg7[%get3A_106], %and3A_109 : memref<5120xi32, #tpu.memory_space<vmem>>[vector<16xi32>], vector<16xi32>,
      %add3A_110 = arith.constant 16 : i32
      %add3A_111 = vector.broadcast %add3A_110 : i32 to vector<16xi32>
      %add3A_112 = arith.addi %scan3A_103, %add3A_111 : vector<16xi32>
      scf.yield %add3A_112 : vector<16xi32>
    }
    %scan3A_13 = arith.constant 256 : i32
    %mul3A_14 = arith.constant 160 : i32
    %mul3A_15 = arith.muli %add3A, %mul3A_14 : i32
    %add3A_16 = arith.constant 0 : i32
    %add3A_17 = arith.addi %add3A_16, %mul3A_15 : i32
    %add3A_18 = arith.constant 0 : i32
    %add3A_19 = arith.addi %add3A_17, %add3A_18 : i32
    %dma_start3A = tpu.memref_slice %arg7[%add3A_19] : memref<5120xi32, #tpu.memory_space<vmem>> -> memref<40xi32, #tpu.memory_space<vmem>>
    %dma_start3A_20 = arith.constant 0 : i32
    %dma_start3A_21 = arith.constant 0 : i32
    %dma_start3A_22 = tpu.memref_slice %arg4[%dma_start3A_20, %dma_start3A_21] : memref<2048x1024xi32, #tpu.memory_space<hbm>> -> memref<2048x1024xi32, #tpu.memory_space<hbm>>
    tpu.enqueue_indirect_dma source(%dma_start3A_22 : memref<2048x1024xi32, #tpu.memory_space<hbm>>) target(%arg8 : memref<40x1024xi32, #tpu.memory_space<vmem>>) offsets(%dma_start3A : memref<40xi32, #tpu.memory_space<vmem>>) semaphore(%arg10 : memref<!tpu.dma_semaphore, #tpu.memory_space<semaphore_mem>>)
    %add3A_23 = arith.constant 0 : i32
    %add3A_24 = arith.addi %add3A_23, %mul3A_15 : i32
    %add3A_25 = arith.constant 40 : i32
    %add3A_26 = arith.addi %add3A_24, %add3A_25 : i32
    %dma_start3A_27 = tpu.memref_slice %arg7[%add3A_26] : memref<5120xi32, #tpu.memory_space<vmem>> -> memref<40xi32, #tpu.memory_space<vmem>>
    %dma_start3A_28 = arith.constant 0 : i32
    %dma_start3A_29 = arith.constant 0 : i32
    %dma_start3A_30 = tpu.memref_slice %arg4[%dma_start3A_28, %dma_start3A_29] : memref<2048x1024xi32, #tpu.memory_space<hbm>> -> memref<2048x1024xi32, #tpu.memory_space<hbm>>
    tpu.enqueue_indirect_dma source(%dma_start3A_30 : memref<2048x1024xi32, #tpu.memory_space<hbm>>) target(%arg9 : memref<40x1024xi32, #tpu.memory_space<vmem>>) offsets(%dma_start3A_27 : memref<40xi32, #tpu.memory_space<vmem>>) semaphore(%arg11 : memref<!tpu.dma_semaphore, #tpu.memory_space<semaphore_mem>>)
    %dma_wait3A = tpu.memref_slice %arg7[%add3A_19] : memref<5120xi32, #tpu.memory_space<vmem>> -> memref<40xi32, #tpu.memory_space<vmem>>
    %dma_wait3A_31 = arith.constant 0 : i32
    %dma_wait3A_32 = arith.constant 0 : i32
    %dma_wait3A_33 = tpu.memref_slice %arg4[%dma_wait3A_31, %dma_wait3A_32] : memref<2048x1024xi32, #tpu.memory_space<hbm>> -> memref<2048x1024xi32, #tpu.memory_space<hbm>>
    tpu.wait_indirect_dma semaphore(%arg10 : memref<!tpu.dma_semaphore, #tpu.memory_space<semaphore_mem>>) src(%dma_wait3A_33 : memref<2048x1024xi32, #tpu.memory_space<hbm>>) dst(%arg8 : memref<40x1024xi32, #tpu.memory_space<vmem>>)
    %add3A_34 = arith.constant 0 : i32
    %add3A_35 = arith.addi %mul3A_15, %add3A_34 : i32
    %dma_start3A_36 = arith.constant 0 : i32
    %dma_start3A_37 = tpu.memref_slice %arg5[%add3A_35, %dma_start3A_36] : memref<5120x1024xi32, #tpu.memory_space<hbm>> -> memref<40x1024xi32, #tpu.memory_space<hbm>>
    %dma_start3A_38 = arith.constant 0 : i32
    %dma_start3A_39 = tpu.memref_slice %arg5[%add3A_35, %dma_start3A_38] : memref<5120x1024xi32, #tpu.memory_space<hbm>> -> memref<40x1024xi32, #tpu.memory_space<hbm>>
    tpu.enqueue_dma source(%arg8 : memref<40x1024xi32, #tpu.memory_space<vmem>>) target(%dma_start3A_39 : memref<40x1024xi32, #tpu.memory_space<hbm>>) target_semaphore(%arg12 : memref<!tpu.dma_semaphore, #tpu.memory_space<semaphore_mem>>)
    %dma_wait3A_40 = arith.constant 0 : i32
    %dma_wait3A_41 = tpu.memref_slice %arg5[%add3A_35, %dma_wait3A_40] : memref<5120x1024xi32, #tpu.memory_space<hbm>> -> memref<40x1024xi32, #tpu.memory_space<hbm>>
    %dma_wait3A_42 = arith.constant 0 : i32
    %dma_wait3A_43 = tpu.memref_slice %arg5[%add3A_35, %dma_wait3A_42] : memref<5120x1024xi32, #tpu.memory_space<hbm>> -> memref<40x1024xi32, #tpu.memory_space<hbm>>
    tpu.wait_dma2 semaphore(%arg12 : memref<!tpu.dma_semaphore, #tpu.memory_space<semaphore_mem>>) src(%arg8 : memref<40x1024xi32, #tpu.memory_space<vmem>>) dst(%dma_wait3A_43 : memref<40x1024xi32, #tpu.memory_space<hbm>>)
    %add3A_44 = arith.constant 0 : i32
    %add3A_45 = arith.addi %add3A_44, %mul3A_15 : i32
    %add3A_46 = arith.constant 80 : i32
    %add3A_47 = arith.addi %add3A_45, %add3A_46 : i32
    %dma_start3A_48 = tpu.memref_slice %arg7[%add3A_47] : memref<5120xi32, #tpu.memory_space<vmem>> -> memref<40xi32, #tpu.memory_space<vmem>>
    %dma_start3A_49 = arith.constant 0 : i32
    %dma_start3A_50 = arith.constant 0 : i32
    %dma_start3A_51 = tpu.memref_slice %arg4[%dma_start3A_49, %dma_start3A_50] : memref<2048x1024xi32, #tpu.memory_space<hbm>> -> memref<2048x1024xi32, #tpu.memory_space<hbm>>
    tpu.enqueue_indirect_dma source(%dma_start3A_51 : memref<2048x1024xi32, #tpu.memory_space<hbm>>) target(%arg8 : memref<40x1024xi32, #tpu.memory_space<vmem>>) offsets(%dma_start3A_48 : memref<40xi32, #tpu.memory_space<vmem>>) semaphore(%arg10 : memref<!tpu.dma_semaphore, #tpu.memory_space<semaphore_mem>>)
    %dma_wait3A_52 = tpu.memref_slice %arg7[%add3A_26] : memref<5120xi32, #tpu.memory_space<vmem>> -> memref<40xi32, #tpu.memory_space<vmem>>
    %dma_wait3A_53 = arith.constant 0 : i32
    %dma_wait3A_54 = arith.constant 0 : i32
    %dma_wait3A_55 = tpu.memref_slice %arg4[%dma_wait3A_53, %dma_wait3A_54] : memref<2048x1024xi32, #tpu.memory_space<hbm>> -> memref<2048x1024xi32, #tpu.memory_space<hbm>>
    tpu.wait_indirect_dma semaphore(%arg11 : memref<!tpu.dma_semaphore, #tpu.memory_space<semaphore_mem>>) src(%dma_wait3A_55 : memref<2048x1024xi32, #tpu.memory_space<hbm>>) dst(%arg9 : memref<40x1024xi32, #tpu.memory_space<vmem>>)
    %add3A_56 = arith.constant 40 : i32
    %add3A_57 = arith.addi %mul3A_15, %add3A_56 : i32
    %dma_start3A_58 = arith.constant 0 : i32
    %dma_start3A_59 = tpu.memref_slice %arg5[%add3A_57, %dma_start3A_58] : memref<5120x1024xi32, #tpu.memory_space<hbm>> -> memref<40x1024xi32, #tpu.memory_space<hbm>>
    %dma_start3A_60 = arith.constant 0 : i32
    %dma_start3A_61 = tpu.memref_slice %arg5[%add3A_57, %dma_start3A_60] : memref<5120x1024xi32, #tpu.memory_space<hbm>> -> memref<40x1024xi32, #tpu.memory_space<hbm>>
    tpu.enqueue_dma source(%arg9 : memref<40x1024xi32, #tpu.memory_space<vmem>>) target(%dma_start3A_61 : memref<40x1024xi32, #tpu.memory_space<hbm>>) target_semaphore(%arg13 : memref<!tpu.dma_semaphore, #tpu.memory_space<semaphore_mem>>)
    %dma_wait3A_62 = arith.constant 0 : i32
    %dma_wait3A_63 = tpu.memref_slice %arg5[%add3A_57, %dma_wait3A_62] : memref<5120x1024xi32, #tpu.memory_space<hbm>> -> memref<40x1024xi32, #tpu.memory_space<hbm>>
    %dma_wait3A_64 = arith.constant 0 : i32
    %dma_wait3A_65 = tpu.memref_slice %arg5[%add3A_57, %dma_wait3A_64] : memref<5120x1024xi32, #tpu.memory_space<hbm>> -> memref<40x1024xi32, #tpu.memory_space<hbm>>
    tpu.wait_dma2 semaphore(%arg13 : memref<!tpu.dma_semaphore, #tpu.memory_space<semaphore_mem>>) src(%arg9 : memref<40x1024xi32, #tpu.memory_space<vmem>>) dst(%dma_wait3A_65 : memref<40x1024xi32, #tpu.memory_space<hbm>>)
    %add3A_66 = arith.constant 0 : i32
    %add3A_67 = arith.addi %add3A_66, %mul3A_15 : i32
    %add3A_68 = arith.constant 120 : i32
    %add3A_69 = arith.addi %add3A_67, %add3A_68 : i32
    %dma_start3A_70 = tpu.memref_slice %arg7[%add3A_69] : memref<5120xi32, #tpu.memory_space<vmem>> -> memref<40xi32, #tpu.memory_space<vmem>>
    %dma_start3A_71 = arith.constant 0 : i32
    %dma_start3A_72 = arith.constant 0 : i32
    %dma_start3A_73 = tpu.memref_slice %arg4[%dma_start3A_71, %dma_start3A_72] : memref<2048x1024xi32, #tpu.memory_space<hbm>> -> memref<2048x1024xi32, #tpu.memory_space<hbm>>
    tpu.enqueue_indirect_dma source(%dma_start3A_73 : memref<2048x1024xi32, #tpu.memory_space<hbm>>) target(%arg9 : memref<40x1024xi32, #tpu.memory_space<vmem>>) offsets(%dma_start3A_70 : memref<40xi32, #tpu.memory_space<vmem>>) semaphore(%arg11 : memref<!tpu.dma_semaphore, #tpu.memory_space<semaphore_mem>>)
    %dma_wait3A_74 = tpu.memref_slice %arg7[%add3A_47] : memref<5120xi32, #tpu.memory_space<vmem>> -> memref<40xi32, #tpu.memory_space<vmem>>
    %dma_wait3A_75 = arith.constant 0 : i32
    %dma_wait3A_76 = arith.constant 0 : i32
    %dma_wait3A_77 = tpu.memref_slice %arg4[%dma_wait3A_75, %dma_wait3A_76] : memref<2048x1024xi32, #tpu.memory_space<hbm>> -> memref<2048x1024xi32, #tpu.memory_space<hbm>>
    tpu.wait_indirect_dma semaphore(%arg10 : memref<!tpu.dma_semaphore, #tpu.memory_space<semaphore_mem>>) src(%dma_wait3A_77 : memref<2048x1024xi32, #tpu.memory_space<hbm>>) dst(%arg8 : memref<40x1024xi32, #tpu.memory_space<vmem>>)
    %add3A_78 = arith.constant 80 : i32
    %add3A_79 = arith.addi %mul3A_15, %add3A_78 : i32
    %dma_start3A_80 = arith.constant 0 : i32
    %dma_start3A_81 = tpu.memref_slice %arg5[%add3A_79, %dma_start3A_80] : memref<5120x1024xi32, #tpu.memory_space<hbm>> -> memref<40x1024xi32, #tpu.memory_space<hbm>>
    %dma_start3A_82 = arith.constant 0 : i32
    %dma_start3A_83 = tpu.memref_slice %arg5[%add3A_79, %dma_start3A_82] : memref<5120x1024xi32, #tpu.memory_space<hbm>> -> memref<40x1024xi32, #tpu.memory_space<hbm>>
    tpu.enqueue_dma source(%arg8 : memref<40x1024xi32, #tpu.memory_space<vmem>>) target(%dma_start3A_83 : memref<40x1024xi32, #tpu.memory_space<hbm>>) target_semaphore(%arg12 : memref<!tpu.dma_semaphore, #tpu.memory_space<semaphore_mem>>)
    %dma_wait3A_84 = tpu.memref_slice %arg7[%add3A_69] : memref<5120xi32, #tpu.memory_space<vmem>> -> memref<40xi32, #tpu.memory_space<vmem>>
    %dma_wait3A_85 = arith.constant 0 : i32
    %dma_wait3A_86 = arith.constant 0 : i32
    %dma_wait3A_87 = tpu.memref_slice %arg4[%dma_wait3A_85, %dma_wait3A_86] : memref<2048x1024xi32, #tpu.memory_space<hbm>> -> memref<2048x1024xi32, #tpu.memory_space<hbm>>
    tpu.wait_indirect_dma semaphore(%arg11 : memref<!tpu.dma_semaphore, #tpu.memory_space<semaphore_mem>>) src(%dma_wait3A_87 : memref<2048x1024xi32, #tpu.memory_space<hbm>>) dst(%arg9 : memref<40x1024xi32, #tpu.memory_space<vmem>>)
    %add3A_88 = arith.constant 120 : i32
    %add3A_89 = arith.addi %mul3A_15, %add3A_88 : i32
    %dma_start3A_90 = arith.constant 0 : i32
    %dma_start3A_91 = tpu.memref_slice %arg5[%add3A_89, %dma_start3A_90] : memref<5120x1024xi32, #tpu.memory_space<hbm>> -> memref<40x1024xi32, #tpu.memory_space<hbm>>
    %dma_start3A_92 = arith.constant 0 : i32
    %dma_start3A_93 = tpu.memref_slice %arg5[%add3A_89, %dma_start3A_92] : memref<5120x1024xi32, #tpu.memory_space<hbm>> -> memref<40x1024xi32, #tpu.memory_space<hbm>>
    tpu.enqueue_dma source(%arg9 : memref<40x1024xi32, #tpu.memory_space<vmem>>) target(%dma_start3A_93 : memref<40x1024xi32, #tpu.memory_space<hbm>>) target_semaphore(%arg13 : memref<!tpu.dma_semaphore, #tpu.memory_space<semaphore_mem>>)
    %dma_wait3A_94 = arith.constant 0 : i32
    %dma_wait3A_95 = tpu.memref_slice %arg5[%add3A_79, %dma_wait3A_94] : memref<5120x1024xi32, #tpu.memory_space<hbm>> -> memref<40x1024xi32, #tpu.memory_space<hbm>>
    %dma_wait3A_96 = arith.constant 0 : i32
    %dma_wait3A_97 = tpu.memref_slice %arg5[%add3A_79, %dma_wait3A_96] : memref<5120x1024xi32, #tpu.memory_space<hbm>> -> memref<40x1024xi32, #tpu.memory_space<hbm>>
    tpu.wait_dma2 semaphore(%arg12 : memref<!tpu.dma_semaphore, #tpu.memory_space<semaphore_mem>>) src(%arg8 : memref<40x1024xi32, #tpu.memory_space<vmem>>) dst(%dma_wait3A_97 : memref<40x1024xi32, #tpu.memory_space<hbm>>)
    %dma_wait3A_98 = arith.constant 0 : i32
    %dma_wait3A_99 = tpu.memref_slice %arg5[%add3A_89, %dma_wait3A_98] : memref<5120x1024xi32, #tpu.memory_space<hbm>> -> memref<40x1024xi32, #tpu.memory_space<hbm>>
    %dma_wait3A_100 = arith.constant 0 : i32
    %dma_wait3A_101 = tpu.memref_slice %arg5[%add3A_89, %dma_wait3A_100] : memref<5120x1024xi32, #tpu.memory_space<hbm>> -> memref<40x1024xi32, #tpu.memory_space<hbm>>
    tpu.wait_dma2 semaphore(%arg13 : memref<!tpu.dma_semaphore, #tpu.memory_space<semaphore_mem>>) src(%arg9 : memref<40x1024xi32, #tpu.memory_space<vmem>>) dst(%dma_wait3A_101 : memref<40x1024xi32, #tpu.memory_space<hbm>>)
    return
  }
}

#map = affine_map<(d0, d1) -> (0, 0)>
#map1 = affine_map<(d0, d1) -> (0)>
module attributes {stable_mosaic.version = 14 : i64} {
  func.func @_cgather_body(%arg0: i32, %arg1: i32, %arg2: memref<5120x1024xi32, #tpu.memory_space<hbm>>, %arg3: memref<2048xi32, #tpu.memory_space<hbm>>, %arg4: memref<2048xi32, #tpu.memory_space<hbm>>, %arg5: memref<2048x1024xi32, #tpu.memory_space<hbm>>, %arg6: memref<2048x1024xi32, #tpu.memory_space<hbm>>, %arg7: memref<32xi32, #tpu.memory_space<vmem>>, %arg8: memref<32xi32, #tpu.memory_space<vmem>>, %arg9: memref<32x1024xi32, #tpu.memory_space<vmem>>, %arg10: memref<32x1024xi32, #tpu.memory_space<vmem>>, %arg11: memref<!tpu.dma_semaphore, #tpu.memory_space<semaphore_mem>>, %arg12: memref<!tpu.dma_semaphore, #tpu.memory_space<semaphore_mem>>, %arg13: memref<!tpu.dma_semaphore, #tpu.memory_space<semaphore_mem>>, %arg14: memref<!tpu.dma_semaphore, #tpu.memory_space<semaphore_mem>>) attributes {dimension_semantics = [#tpu.dimension_semantics<core_parallel>, #tpu.dimension_semantics<subcore_parallel>], iteration_bounds = array<i64: 2, 16>, scalar_prefetch = 0 : i64, scratch_operands = 8 : i64, tpu.core_type = #tpu.core_type<sc_vector_subcore>, window_params = [{transform_indices = #map}, {transform_indices = #map1}, {transform_indices = #map1}, {transform_indices = #map}, {transform_indices = #map}]} {
    %mul3A = arith.constant 2 : i32
    %mul3A_0 = arith.muli %arg1, %mul3A : i32
    %add3A = arith.addi %mul3A_0, %arg0 : i32
    %mul3A_1 = arith.constant 64 : i32
    %mul3A_2 = arith.muli %add3A, %mul3A_1 : i32
    %add3A_3 = arith.constant 0 : i32
    %add3A_4 = arith.addi %mul3A_2, %add3A_3 : i32
    %add3A_5 = arith.constant 32 : i32
    %add3A_6 = arith.addi %mul3A_2, %add3A_5 : i32
    %add3A_7 = arith.constant 0 : i32
    %add3A_8 = arith.addi %mul3A_2, %add3A_7 : i32
    %add3A_9 = arith.constant 32 : i32
    %add3A_10 = arith.addi %mul3A_2, %add3A_9 : i32
    "tpu.region"() ({
      %run_scoped3A = tpu.sem_alloc : memref<!tpu.dma_semaphore, #tpu.memory_space<semaphore_mem>>
      %dma_start3A_65 = tpu.memref_slice %arg3[%add3A_4] : memref<2048xi32, #tpu.memory_space<hbm>> -> memref<32xi32, #tpu.memory_space<hbm>>
      %dma_start3A_66 = tpu.memref_slice %arg3[%add3A_4] : memref<2048xi32, #tpu.memory_space<hbm>> -> memref<32xi32, #tpu.memory_space<hbm>>
      tpu.enqueue_dma source(%dma_start3A_66 : memref<32xi32, #tpu.memory_space<hbm>>) target(%arg7 : memref<32xi32, #tpu.memory_space<vmem>>) target_semaphore(%run_scoped3A : memref<!tpu.dma_semaphore, #tpu.memory_space<semaphore_mem>>)
      %dma_wait3A_67 = tpu.memref_slice %arg3[%add3A_4] : memref<2048xi32, #tpu.memory_space<hbm>> -> memref<32xi32, #tpu.memory_space<hbm>>
      %dma_wait3A_68 = tpu.memref_slice %arg3[%add3A_4] : memref<2048xi32, #tpu.memory_space<hbm>> -> memref<32xi32, #tpu.memory_space<hbm>>
      tpu.wait_dma2 semaphore(%run_scoped3A : memref<!tpu.dma_semaphore, #tpu.memory_space<semaphore_mem>>) src(%dma_wait3A_68 : memref<32xi32, #tpu.memory_space<hbm>>) dst(%arg7 : memref<32xi32, #tpu.memory_space<vmem>>)
      tpu.yield
    }) : () -> ()
    %dma_start3A = arith.constant 0 : i32
    %dma_start3A_11 = arith.constant 0 : i32
    %dma_start3A_12 = tpu.memref_slice %arg2[%dma_start3A, %dma_start3A_11] : memref<5120x1024xi32, #tpu.memory_space<hbm>> -> memref<5120x1024xi32, #tpu.memory_space<hbm>>
    tpu.enqueue_indirect_dma source(%dma_start3A_12 : memref<5120x1024xi32, #tpu.memory_space<hbm>>) target(%arg9 : memref<32x1024xi32, #tpu.memory_space<vmem>>) offsets(%arg7 : memref<32xi32, #tpu.memory_space<vmem>>) semaphore(%arg11 : memref<!tpu.dma_semaphore, #tpu.memory_space<semaphore_mem>>)
    "tpu.region"() ({
      %run_scoped3A = tpu.sem_alloc : memref<!tpu.dma_semaphore, #tpu.memory_space<semaphore_mem>>
      %dma_start3A_65 = tpu.memref_slice %arg3[%add3A_6] : memref<2048xi32, #tpu.memory_space<hbm>> -> memref<32xi32, #tpu.memory_space<hbm>>
      %dma_start3A_66 = tpu.memref_slice %arg3[%add3A_6] : memref<2048xi32, #tpu.memory_space<hbm>> -> memref<32xi32, #tpu.memory_space<hbm>>
      tpu.enqueue_dma source(%dma_start3A_66 : memref<32xi32, #tpu.memory_space<hbm>>) target(%arg8 : memref<32xi32, #tpu.memory_space<vmem>>) target_semaphore(%run_scoped3A : memref<!tpu.dma_semaphore, #tpu.memory_space<semaphore_mem>>)
      %dma_wait3A_67 = tpu.memref_slice %arg3[%add3A_6] : memref<2048xi32, #tpu.memory_space<hbm>> -> memref<32xi32, #tpu.memory_space<hbm>>
      %dma_wait3A_68 = tpu.memref_slice %arg3[%add3A_6] : memref<2048xi32, #tpu.memory_space<hbm>> -> memref<32xi32, #tpu.memory_space<hbm>>
      tpu.wait_dma2 semaphore(%run_scoped3A : memref<!tpu.dma_semaphore, #tpu.memory_space<semaphore_mem>>) src(%dma_wait3A_68 : memref<32xi32, #tpu.memory_space<hbm>>) dst(%arg8 : memref<32xi32, #tpu.memory_space<vmem>>)
      tpu.yield
    }) : () -> ()
    %dma_start3A_13 = arith.constant 0 : i32
    %dma_start3A_14 = arith.constant 0 : i32
    %dma_start3A_15 = tpu.memref_slice %arg2[%dma_start3A_13, %dma_start3A_14] : memref<5120x1024xi32, #tpu.memory_space<hbm>> -> memref<5120x1024xi32, #tpu.memory_space<hbm>>
    tpu.enqueue_indirect_dma source(%dma_start3A_15 : memref<5120x1024xi32, #tpu.memory_space<hbm>>) target(%arg10 : memref<32x1024xi32, #tpu.memory_space<vmem>>) offsets(%arg8 : memref<32xi32, #tpu.memory_space<vmem>>) semaphore(%arg12 : memref<!tpu.dma_semaphore, #tpu.memory_space<semaphore_mem>>)
    %dma_wait3A = arith.constant 0 : i32
    %dma_wait3A_16 = arith.constant 0 : i32
    %dma_wait3A_17 = tpu.memref_slice %arg2[%dma_wait3A, %dma_wait3A_16] : memref<5120x1024xi32, #tpu.memory_space<hbm>> -> memref<5120x1024xi32, #tpu.memory_space<hbm>>
    tpu.wait_indirect_dma semaphore(%arg11 : memref<!tpu.dma_semaphore, #tpu.memory_space<semaphore_mem>>) src(%dma_wait3A_17 : memref<5120x1024xi32, #tpu.memory_space<hbm>>) dst(%arg9 : memref<32x1024xi32, #tpu.memory_space<vmem>>)
    %dma_start3A_18 = arith.constant 0 : i32
    %dma_start3A_19 = tpu.memref_slice %arg5[%add3A_4, %dma_start3A_18] : memref<2048x1024xi32, #tpu.memory_space<hbm>> -> memref<32x1024xi32, #tpu.memory_space<hbm>>
    %dma_start3A_20 = arith.constant 0 : i32
    %dma_start3A_21 = tpu.memref_slice %arg5[%add3A_4, %dma_start3A_20] : memref<2048x1024xi32, #tpu.memory_space<hbm>> -> memref<32x1024xi32, #tpu.memory_space<hbm>>
    tpu.enqueue_dma source(%arg9 : memref<32x1024xi32, #tpu.memory_space<vmem>>) target(%dma_start3A_21 : memref<32x1024xi32, #tpu.memory_space<hbm>>) target_semaphore(%arg13 : memref<!tpu.dma_semaphore, #tpu.memory_space<semaphore_mem>>)
    %dma_wait3A_22 = arith.constant 0 : i32
    %dma_wait3A_23 = tpu.memref_slice %arg5[%add3A_4, %dma_wait3A_22] : memref<2048x1024xi32, #tpu.memory_space<hbm>> -> memref<32x1024xi32, #tpu.memory_space<hbm>>
    %dma_wait3A_24 = arith.constant 0 : i32
    %dma_wait3A_25 = tpu.memref_slice %arg5[%add3A_4, %dma_wait3A_24] : memref<2048x1024xi32, #tpu.memory_space<hbm>> -> memref<32x1024xi32, #tpu.memory_space<hbm>>
    tpu.wait_dma2 semaphore(%arg13 : memref<!tpu.dma_semaphore, #tpu.memory_space<semaphore_mem>>) src(%arg9 : memref<32x1024xi32, #tpu.memory_space<vmem>>) dst(%dma_wait3A_25 : memref<32x1024xi32, #tpu.memory_space<hbm>>)
    "tpu.region"() ({
      %run_scoped3A = tpu.sem_alloc : memref<!tpu.dma_semaphore, #tpu.memory_space<semaphore_mem>>
      %dma_start3A_65 = tpu.memref_slice %arg4[%add3A_8] : memref<2048xi32, #tpu.memory_space<hbm>> -> memref<32xi32, #tpu.memory_space<hbm>>
      %dma_start3A_66 = tpu.memref_slice %arg4[%add3A_8] : memref<2048xi32, #tpu.memory_space<hbm>> -> memref<32xi32, #tpu.memory_space<hbm>>
      tpu.enqueue_dma source(%dma_start3A_66 : memref<32xi32, #tpu.memory_space<hbm>>) target(%arg7 : memref<32xi32, #tpu.memory_space<vmem>>) target_semaphore(%run_scoped3A : memref<!tpu.dma_semaphore, #tpu.memory_space<semaphore_mem>>)
      %dma_wait3A_67 = tpu.memref_slice %arg4[%add3A_8] : memref<2048xi32, #tpu.memory_space<hbm>> -> memref<32xi32, #tpu.memory_space<hbm>>
      %dma_wait3A_68 = tpu.memref_slice %arg4[%add3A_8] : memref<2048xi32, #tpu.memory_space<hbm>> -> memref<32xi32, #tpu.memory_space<hbm>>
      tpu.wait_dma2 semaphore(%run_scoped3A : memref<!tpu.dma_semaphore, #tpu.memory_space<semaphore_mem>>) src(%dma_wait3A_68 : memref<32xi32, #tpu.memory_space<hbm>>) dst(%arg7 : memref<32xi32, #tpu.memory_space<vmem>>)
      tpu.yield
    }) : () -> ()
    %dma_start3A_26 = arith.constant 0 : i32
    %dma_start3A_27 = arith.constant 0 : i32
    %dma_start3A_28 = tpu.memref_slice %arg2[%dma_start3A_26, %dma_start3A_27] : memref<5120x1024xi32, #tpu.memory_space<hbm>> -> memref<5120x1024xi32, #tpu.memory_space<hbm>>
    tpu.enqueue_indirect_dma source(%dma_start3A_28 : memref<5120x1024xi32, #tpu.memory_space<hbm>>) target(%arg9 : memref<32x1024xi32, #tpu.memory_space<vmem>>) offsets(%arg7 : memref<32xi32, #tpu.memory_space<vmem>>) semaphore(%arg11 : memref<!tpu.dma_semaphore, #tpu.memory_space<semaphore_mem>>)
    %dma_wait3A_29 = arith.constant 0 : i32
    %dma_wait3A_30 = arith.constant 0 : i32
    %dma_wait3A_31 = tpu.memref_slice %arg2[%dma_wait3A_29, %dma_wait3A_30] : memref<5120x1024xi32, #tpu.memory_space<hbm>> -> memref<5120x1024xi32, #tpu.memory_space<hbm>>
    tpu.wait_indirect_dma semaphore(%arg12 : memref<!tpu.dma_semaphore, #tpu.memory_space<semaphore_mem>>) src(%dma_wait3A_31 : memref<5120x1024xi32, #tpu.memory_space<hbm>>) dst(%arg10 : memref<32x1024xi32, #tpu.memory_space<vmem>>)
    %dma_start3A_32 = arith.constant 0 : i32
    %dma_start3A_33 = tpu.memref_slice %arg5[%add3A_6, %dma_start3A_32] : memref<2048x1024xi32, #tpu.memory_space<hbm>> -> memref<32x1024xi32, #tpu.memory_space<hbm>>
    %dma_start3A_34 = arith.constant 0 : i32
    %dma_start3A_35 = tpu.memref_slice %arg5[%add3A_6, %dma_start3A_34] : memref<2048x1024xi32, #tpu.memory_space<hbm>> -> memref<32x1024xi32, #tpu.memory_space<hbm>>
    tpu.enqueue_dma source(%arg10 : memref<32x1024xi32, #tpu.memory_space<vmem>>) target(%dma_start3A_35 : memref<32x1024xi32, #tpu.memory_space<hbm>>) target_semaphore(%arg14 : memref<!tpu.dma_semaphore, #tpu.memory_space<semaphore_mem>>)
    %dma_wait3A_36 = arith.constant 0 : i32
    %dma_wait3A_37 = tpu.memref_slice %arg5[%add3A_6, %dma_wait3A_36] : memref<2048x1024xi32, #tpu.memory_space<hbm>> -> memref<32x1024xi32, #tpu.memory_space<hbm>>
    %dma_wait3A_38 = arith.constant 0 : i32
    %dma_wait3A_39 = tpu.memref_slice %arg5[%add3A_6, %dma_wait3A_38] : memref<2048x1024xi32, #tpu.memory_space<hbm>> -> memref<32x1024xi32, #tpu.memory_space<hbm>>
    tpu.wait_dma2 semaphore(%arg14 : memref<!tpu.dma_semaphore, #tpu.memory_space<semaphore_mem>>) src(%arg10 : memref<32x1024xi32, #tpu.memory_space<vmem>>) dst(%dma_wait3A_39 : memref<32x1024xi32, #tpu.memory_space<hbm>>)
    "tpu.region"() ({
      %run_scoped3A = tpu.sem_alloc : memref<!tpu.dma_semaphore, #tpu.memory_space<semaphore_mem>>
      %dma_start3A_65 = tpu.memref_slice %arg4[%add3A_10] : memref<2048xi32, #tpu.memory_space<hbm>> -> memref<32xi32, #tpu.memory_space<hbm>>
      %dma_start3A_66 = tpu.memref_slice %arg4[%add3A_10] : memref<2048xi32, #tpu.memory_space<hbm>> -> memref<32xi32, #tpu.memory_space<hbm>>
      tpu.enqueue_dma source(%dma_start3A_66 : memref<32xi32, #tpu.memory_space<hbm>>) target(%arg8 : memref<32xi32, #tpu.memory_space<vmem>>) target_semaphore(%run_scoped3A : memref<!tpu.dma_semaphore, #tpu.memory_space<semaphore_mem>>)
      %dma_wait3A_67 = tpu.memref_slice %arg4[%add3A_10] : memref<2048xi32, #tpu.memory_space<hbm>> -> memref<32xi32, #tpu.memory_space<hbm>>
      %dma_wait3A_68 = tpu.memref_slice %arg4[%add3A_10] : memref<2048xi32, #tpu.memory_space<hbm>> -> memref<32xi32, #tpu.memory_space<hbm>>
      tpu.wait_dma2 semaphore(%run_scoped3A : memref<!tpu.dma_semaphore, #tpu.memory_space<semaphore_mem>>) src(%dma_wait3A_68 : memref<32xi32, #tpu.memory_space<hbm>>) dst(%arg8 : memref<32xi32, #tpu.memory_space<vmem>>)
      tpu.yield
    }) : () -> ()
    %dma_start3A_40 = arith.constant 0 : i32
    %dma_start3A_41 = arith.constant 0 : i32
    %dma_start3A_42 = tpu.memref_slice %arg2[%dma_start3A_40, %dma_start3A_41] : memref<5120x1024xi32, #tpu.memory_space<hbm>> -> memref<5120x1024xi32, #tpu.memory_space<hbm>>
    tpu.enqueue_indirect_dma source(%dma_start3A_42 : memref<5120x1024xi32, #tpu.memory_space<hbm>>) target(%arg10 : memref<32x1024xi32, #tpu.memory_space<vmem>>) offsets(%arg8 : memref<32xi32, #tpu.memory_space<vmem>>) semaphore(%arg12 : memref<!tpu.dma_semaphore, #tpu.memory_space<semaphore_mem>>)
    %dma_wait3A_43 = arith.constant 0 : i32
    %dma_wait3A_44 = arith.constant 0 : i32
    %dma_wait3A_45 = tpu.memref_slice %arg2[%dma_wait3A_43, %dma_wait3A_44] : memref<5120x1024xi32, #tpu.memory_space<hbm>> -> memref<5120x1024xi32, #tpu.memory_space<hbm>>
    tpu.wait_indirect_dma semaphore(%arg11 : memref<!tpu.dma_semaphore, #tpu.memory_space<semaphore_mem>>) src(%dma_wait3A_45 : memref<5120x1024xi32, #tpu.memory_space<hbm>>) dst(%arg9 : memref<32x1024xi32, #tpu.memory_space<vmem>>)
    %dma_start3A_46 = arith.constant 0 : i32
    %dma_start3A_47 = tpu.memref_slice %arg6[%add3A_8, %dma_start3A_46] : memref<2048x1024xi32, #tpu.memory_space<hbm>> -> memref<32x1024xi32, #tpu.memory_space<hbm>>
    %dma_start3A_48 = arith.constant 0 : i32
    %dma_start3A_49 = tpu.memref_slice %arg6[%add3A_8, %dma_start3A_48] : memref<2048x1024xi32, #tpu.memory_space<hbm>> -> memref<32x1024xi32, #tpu.memory_space<hbm>>
    tpu.enqueue_dma source(%arg9 : memref<32x1024xi32, #tpu.memory_space<vmem>>) target(%dma_start3A_49 : memref<32x1024xi32, #tpu.memory_space<hbm>>) target_semaphore(%arg13 : memref<!tpu.dma_semaphore, #tpu.memory_space<semaphore_mem>>)
    %dma_wait3A_50 = arith.constant 0 : i32
    %dma_wait3A_51 = arith.constant 0 : i32
    %dma_wait3A_52 = tpu.memref_slice %arg2[%dma_wait3A_50, %dma_wait3A_51] : memref<5120x1024xi32, #tpu.memory_space<hbm>> -> memref<5120x1024xi32, #tpu.memory_space<hbm>>
    tpu.wait_indirect_dma semaphore(%arg12 : memref<!tpu.dma_semaphore, #tpu.memory_space<semaphore_mem>>) src(%dma_wait3A_52 : memref<5120x1024xi32, #tpu.memory_space<hbm>>) dst(%arg10 : memref<32x1024xi32, #tpu.memory_space<vmem>>)
    %dma_start3A_53 = arith.constant 0 : i32
    %dma_start3A_54 = tpu.memref_slice %arg6[%add3A_10, %dma_start3A_53] : memref<2048x1024xi32, #tpu.memory_space<hbm>> -> memref<32x1024xi32, #tpu.memory_space<hbm>>
    %dma_start3A_55 = arith.constant 0 : i32
    %dma_start3A_56 = tpu.memref_slice %arg6[%add3A_10, %dma_start3A_55] : memref<2048x1024xi32, #tpu.memory_space<hbm>> -> memref<32x1024xi32, #tpu.memory_space<hbm>>
    tpu.enqueue_dma source(%arg10 : memref<32x1024xi32, #tpu.memory_space<vmem>>) target(%dma_start3A_56 : memref<32x1024xi32, #tpu.memory_space<hbm>>) target_semaphore(%arg14 : memref<!tpu.dma_semaphore, #tpu.memory_space<semaphore_mem>>)
    %dma_wait3A_57 = arith.constant 0 : i32
    %dma_wait3A_58 = tpu.memref_slice %arg6[%add3A_8, %dma_wait3A_57] : memref<2048x1024xi32, #tpu.memory_space<hbm>> -> memref<32x1024xi32, #tpu.memory_space<hbm>>
    %dma_wait3A_59 = arith.constant 0 : i32
    %dma_wait3A_60 = tpu.memref_slice %arg6[%add3A_8, %dma_wait3A_59] : memref<2048x1024xi32, #tpu.memory_space<hbm>> -> memref<32x1024xi32, #tpu.memory_space<hbm>>
    tpu.wait_dma2 semaphore(%arg13 : memref<!tpu.dma_semaphore, #tpu.memory_space<semaphore_mem>>) src(%arg9 : memref<32x1024xi32, #tpu.memory_space<vmem>>) dst(%dma_wait3A_60 : memref<32x1024xi32, #tpu.memory_space<hbm>>)
    %dma_wait3A_61 = arith.constant 0 : i32
    %dma_wait3A_62 = tpu.memref_slice %arg6[%add3A_10, %dma_wait3A_61] : memref<2048x1024xi32, #tpu.memory_space<hbm>> -> memref<32x1024xi32, #tpu.memory_space<hbm>>
    %dma_wait3A_63 = arith.constant 0 : i32
    %dma_wait3A_64 = tpu.memref_slice %arg6[%add3A_10, %dma_wait3A_63] : memref<2048x1024xi32, #tpu.memory_space<hbm>> -> memref<32x1024xi32, #tpu.memory_space<hbm>>
    tpu.wait_dma2 semaphore(%arg14 : memref<!tpu.dma_semaphore, #tpu.memory_space<semaphore_mem>>) src(%arg10 : memref<32x1024xi32, #tpu.memory_space<vmem>>) dst(%dma_wait3A_64 : memref<32x1024xi32, #tpu.memory_space<hbm>>)
    return
  }
}

module attributes {stable_mosaic.version = 14 : i64} {
  func.func @_router_body(%arg0: memref<2048x2048xf32, #tpu.memory_space<vmem>>, %arg1: memref<2048x128xf32, #tpu.memory_space<vmem>>, %arg2: memref<2048x1xf32, #tpu.memory_space<vmem>>, %arg3: memref<2048x1xf32, #tpu.memory_space<vmem>>, %arg4: memref<2048x1xi32, #tpu.memory_space<vmem>>, %arg5: memref<2048x1xi32, #tpu.memory_space<vmem>>, %arg6: memref<128x1xi32, #tpu.memory_space<vmem>>, %arg7: memref<2048x1024xi32, #tpu.memory_space<vmem>>) attributes {dimension_semantics = [], scalar_prefetch = 0 : i64, scratch_operands = 0 : i64, tpu.core_type = #tpu.core_type<tc>} {
    %get3A = arith.constant 0 : index
    %get3A_0 = arith.constant 0 : index
    %get3A_1 = vector.load %arg0[%get3A, %get3A_0] : memref<2048x2048xf32, #tpu.memory_space<vmem>>, vector<2048x2048xf32>
    %convert_element_type3A = arith.truncf %get3A_1 : vector<2048x2048xf32> to vector<2048x2048xbf16>
    %slice3A = vector.extract_strided_slice %convert_element_type3A {offsets = [0, 0], sizes = [2048, 1024], strides = [1, 1]} : vector<2048x2048xbf16> to vector<2048x1024xbf16>
    %bitcast_convert_type3A = tpu.bitcast %slice3A : vector<2048x1024xbf16> -> vector<2048x1024xi16>
    %convert_element_type3A_2 = arith.extui %bitcast_convert_type3A : vector<2048x1024xi16> to vector<2048x1024xi32>
    %slice3A_3 = vector.extract_strided_slice %convert_element_type3A {offsets = [0, 1024], sizes = [2048, 1024], strides = [1, 1]} : vector<2048x2048xbf16> to vector<2048x1024xbf16>
    %bitcast_convert_type3A_4 = tpu.bitcast %slice3A_3 : vector<2048x1024xbf16> -> vector<2048x1024xi16>
    %convert_element_type3A_5 = arith.extui %bitcast_convert_type3A_4 : vector<2048x1024xi16> to vector<2048x1024xi32>
    %shift_left3A = arith.constant 16 : i32
    %shift_left3A_6 = vector.broadcast %shift_left3A : i32 to vector<2048x1024xi32>
    %shift_left3A_7 = arith.shli %convert_element_type3A_5, %shift_left3A_6 : vector<2048x1024xi32>
    %or3A = arith.ori %shift_left3A_7, %convert_element_type3A_2 : vector<2048x1024xi32>
    %bitcast_convert_type3A_8 = tpu.bitcast %or3A : vector<2048x1024xi32> -> vector<2048x1024xi32>
    %swap3A = arith.constant 0 : index
    %swap3A_9 = arith.constant 0 : index
    %swap3A_10 = vector.load %arg7[%swap3A, %swap3A_9] : memref<2048x1024xi32, #tpu.memory_space<vmem>>, vector<2048x1024xi32>
    tpu.vector_store %arg7[%swap3A, %swap3A_9], %bitcast_convert_type3A_8 {strides = array<i32>} : memref<2048x1024xi32, #tpu.memory_space<vmem>>, vector<2048x1024xi32>,
    %get3A_11 = arith.constant 0 : index
    %get3A_12 = arith.constant 0 : index
    %get3A_13 = vector.load %arg1[%get3A_11, %get3A_12] : memref<2048x128xf32, #tpu.memory_space<vmem>>, vector<2048x128xf32>
    %dot_general3A = arith.constant dense<0.000000e+00> : vector<2048x128xf32>
    %dot_general3A_14 = tpu.matmul %get3A_1, %get3A_13, %dot_general3A {dimension_numbers = #tpu.dot_dimension_numbers<[1], [0], [0], [1], [0, 0, 1, 1], [], []>, transpose_lhs_hint = false} : vector<2048x2048xf32>, vector<2048x128xf32>, vector<2048x128xf32> -> vector<2048x128xf32>
    %iota3A = tpu.iota {dimensions = array<i32: 1>} : vector<2048x128xi32>
    %lt3A = arith.constant 8 : i32
    %lt3A_15 = vector.broadcast %lt3A : i32 to vector<2048x128xi32>
    %lt3A_16 = arith.cmpi slt, %iota3A, %lt3A_15 : vector<2048x128xi32>
    %jit3A = arith.constant -1.000000e+30 : f32
    %broadcast_in_dim3A = vector.broadcast %jit3A : f32 to vector<2048x128xf32>
    %select_n3A = arith.select %lt3A_16, %dot_general3A_14, %broadcast_in_dim3A : vector<2048x128xi1>, vector<2048x128xf32>
    %reduce_max3A = arith.constant dense<0xFF800000> : vector<2048xf32>
    %reduce_max3A_17 = vector.multi_reduction <maximumf>, %select_n3A, %reduce_max3A [1] : vector<2048x128xf32> to vector<2048xf32>
    %broadcast_in_dim3A_18 = vector.shape_cast %reduce_max3A_17 : vector<2048xf32> to vector<2048x1xf32>
    %sub3A = vector.broadcast %broadcast_in_dim3A_18 : vector<2048x1xf32> to vector<2048x128xf32>
    %sub3A_19 = arith.subf %select_n3A, %sub3A : vector<2048x128xf32>
    %exp3A = math.exp %sub3A_19 : vector<2048x128xf32>
    %lt3A_20 = arith.constant 8 : i32
    %lt3A_21 = vector.broadcast %lt3A_20 : i32 to vector<2048x128xi32>
    %lt3A_22 = arith.cmpi slt, %iota3A, %lt3A_21 : vector<2048x128xi32>
    %jit3A_23 = arith.constant 0.000000e+00 : f32
    %broadcast_in_dim3A_24 = vector.broadcast %jit3A_23 : f32 to vector<2048x128xf32>
    %select_n3A_25 = arith.select %lt3A_22, %exp3A, %broadcast_in_dim3A_24 : vector<2048x128xi1>, vector<2048x128xf32>
    %reduce_sum3A = arith.constant dense<0.000000e+00> : vector<2048xf32>
    %reduce_sum3A_26 = vector.multi_reduction <add>, %select_n3A_25, %reduce_sum3A [1] : vector<2048x128xf32> to vector<2048xf32>
    %broadcast_in_dim3A_27 = vector.shape_cast %reduce_sum3A_26 : vector<2048xf32> to vector<2048x1xf32>
    %div3A = vector.broadcast %broadcast_in_dim3A_27 : vector<2048x1xf32> to vector<2048x128xf32>
    %div3A_28 = arith.divf %select_n3A_25, %div3A : vector<2048x128xf32>
    %reduce_max3A_29 = arith.constant dense<0xFF800000> : vector<2048xf32>
    %reduce_max3A_30 = vector.multi_reduction <maximumf>, %div3A_28, %reduce_max3A_29 [1] : vector<2048x128xf32> to vector<2048xf32>
    %broadcast_in_dim3A_31 = vector.shape_cast %reduce_max3A_30 : vector<2048xf32> to vector<2048x1xf32>
    %ge3A = vector.broadcast %broadcast_in_dim3A_31 : vector<2048x1xf32> to vector<2048x128xf32>
    %ge3A_32 = arith.cmpf oge, %div3A_28, %ge3A : vector<2048x128xf32>
    %jit3A_33 = arith.constant 128 : i32
    %broadcast_in_dim3A_34 = vector.broadcast %jit3A_33 : i32 to vector<2048x128xi32>
    %select_n3A_35 = arith.select %ge3A_32, %iota3A, %broadcast_in_dim3A_34 : vector<2048x128xi1>, vector<2048x128xi32>
    %reduce_min3A = arith.constant dense<2147483647> : vector<2048xi32>
    %reduce_min3A_36 = vector.multi_reduction <minsi>, %select_n3A_35, %reduce_min3A [1] : vector<2048x128xi32> to vector<2048xi32>
    %broadcast_in_dim3A_37 = vector.shape_cast %reduce_min3A_36 : vector<2048xi32> to vector<2048x1xi32>
    %eq3A = vector.broadcast %broadcast_in_dim3A_37 : vector<2048x1xi32> to vector<2048x128xi32>
    %eq3A_38 = arith.cmpi eq, %iota3A, %eq3A : vector<2048x128xi32>
    %jit3A_39 = arith.constant -1.000000e+00 : f32
    %broadcast_in_dim3A_40 = vector.broadcast %jit3A_39 : f32 to vector<2048x128xf32>
    %select_n3A_41 = arith.select %eq3A_38, %broadcast_in_dim3A_40, %div3A_28 : vector<2048x128xi1>, vector<2048x128xf32>
    %reduce_max3A_42 = arith.constant dense<0xFF800000> : vector<2048xf32>
    %reduce_max3A_43 = vector.multi_reduction <maximumf>, %select_n3A_41, %reduce_max3A_42 [1] : vector<2048x128xf32> to vector<2048xf32>
    %broadcast_in_dim3A_44 = vector.shape_cast %reduce_max3A_43 : vector<2048xf32> to vector<2048x1xf32>
    %ge3A_45 = vector.broadcast %broadcast_in_dim3A_44 : vector<2048x1xf32> to vector<2048x128xf32>
    %ge3A_46 = arith.cmpf oge, %select_n3A_41, %ge3A_45 : vector<2048x128xf32>
    %jit3A_47 = arith.constant 128 : i32
    %broadcast_in_dim3A_48 = vector.broadcast %jit3A_47 : i32 to vector<2048x128xi32>
    %select_n3A_49 = arith.select %ge3A_46, %iota3A, %broadcast_in_dim3A_48 : vector<2048x128xi1>, vector<2048x128xi32>
    %reduce_min3A_50 = arith.constant dense<2147483647> : vector<2048xi32>
    %reduce_min3A_51 = vector.multi_reduction <minsi>, %select_n3A_49, %reduce_min3A_50 [1] : vector<2048x128xi32> to vector<2048xi32>
    %broadcast_in_dim3A_52 = vector.shape_cast %reduce_min3A_51 : vector<2048xi32> to vector<2048x1xi32>
    %swap3A_53 = arith.constant 0 : index
    %swap3A_54 = arith.constant 0 : index
    %swap3A_55 = vector.load %arg2[%swap3A_53, %swap3A_54] : memref<2048x1xf32, #tpu.memory_space<vmem>>, vector<2048x1xf32>
    tpu.vector_store %arg2[%swap3A_53, %swap3A_54], %broadcast_in_dim3A_31 {strides = array<i32>} : memref<2048x1xf32, #tpu.memory_space<vmem>>, vector<2048x1xf32>,
    %swap3A_56 = arith.constant 0 : index
    %swap3A_57 = arith.constant 0 : index
    %swap3A_58 = vector.load %arg3[%swap3A_56, %swap3A_57] : memref<2048x1xf32, #tpu.memory_space<vmem>>, vector<2048x1xf32>
    tpu.vector_store %arg3[%swap3A_56, %swap3A_57], %broadcast_in_dim3A_44 {strides = array<i32>} : memref<2048x1xf32, #tpu.memory_space<vmem>>, vector<2048x1xf32>,
    %iota3A_59 = tpu.iota {dimensions = array<i32: 0>} : vector<2048x2048xi32>
    %iota3A_60 = tpu.iota {dimensions = array<i32: 1>} : vector<2048x2048xi32>
    %ge3A_61 = arith.cmpi sge, %iota3A_59, %iota3A_60 : vector<2048x2048xi32>
    %convert_element_type3A_62 = arith.extui %ge3A_61 : vector<2048x2048xi1> to vector<2048x2048xi32>
    %convert_element_type3A_63 = arith.sitofp %convert_element_type3A_62 : vector<2048x2048xi32> to vector<2048x2048xf32>
    %convert_element_type3A_64 = arith.truncf %convert_element_type3A_63 : vector<2048x2048xf32> to vector<2048x2048xbf16>
    %eq3A_65 = vector.broadcast %broadcast_in_dim3A_37 : vector<2048x1xi32> to vector<2048x128xi32>
    %eq3A_66 = arith.cmpi eq, %iota3A, %eq3A_65 : vector<2048x128xi32>
    %convert_element_type3A_67 = arith.extui %eq3A_66 : vector<2048x128xi1> to vector<2048x128xi32>
    %convert_element_type3A_68 = arith.sitofp %convert_element_type3A_67 : vector<2048x128xi32> to vector<2048x128xf32>
    %convert_element_type3A_69 = arith.truncf %convert_element_type3A_68 : vector<2048x128xf32> to vector<2048x128xbf16>
    %eq3A_70 = vector.broadcast %broadcast_in_dim3A_52 : vector<2048x1xi32> to vector<2048x128xi32>
    %eq3A_71 = arith.cmpi eq, %iota3A, %eq3A_70 : vector<2048x128xi32>
    %convert_element_type3A_72 = arith.extui %eq3A_71 : vector<2048x128xi1> to vector<2048x128xi32>
    %convert_element_type3A_73 = arith.sitofp %convert_element_type3A_72 : vector<2048x128xi32> to vector<2048x128xf32>
    %convert_element_type3A_74 = arith.truncf %convert_element_type3A_73 : vector<2048x128xf32> to vector<2048x128xbf16>
    %dot_general3A_75 = arith.constant dense<0.000000e+00> : vector<2048x128xf32>
    %dot_general3A_76 = tpu.matmul %convert_element_type3A_64, %convert_element_type3A_69, %dot_general3A_75 {dimension_numbers = #tpu.dot_dimension_numbers<[1], [0], [0], [1], [0, 0, 1, 1], [], []>, transpose_lhs_hint = false} : vector<2048x2048xbf16>, vector<2048x128xbf16>, vector<2048x128xf32> -> vector<2048x128xf32>
    %dot_general3A_77 = arith.constant dense<0.000000e+00> : vector<2048x128xf32>
    %dot_general3A_78 = tpu.matmul %convert_element_type3A_64, %convert_element_type3A_74, %dot_general3A_77 {dimension_numbers = #tpu.dot_dimension_numbers<[1], [0], [0], [1], [0, 0, 1, 1], [], []>, transpose_lhs_hint = false} : vector<2048x2048xbf16>, vector<2048x128xbf16>, vector<2048x128xf32> -> vector<2048x128xf32>
    %slice3A_79 = vector.extract_strided_slice %dot_general3A_76 {offsets = [2047, 0], sizes = [1, 128], strides = [1, 1]} : vector<2048x128xf32> to vector<1x128xf32>
    %slice3A_80 = vector.extract_strided_slice %dot_general3A_78 {offsets = [2047, 0], sizes = [1, 128], strides = [1, 1]} : vector<2048x128xf32> to vector<1x128xf32>
    %add3A = arith.addf %slice3A_79, %slice3A_80 : vector<1x128xf32>
    %convert_element_type3A_81 = arith.fptosi %add3A : vector<1x128xf32> to vector<1x128xi32>
    %add3A_82 = arith.constant 127 : i32
    %add3A_83 = vector.broadcast %add3A_82 : i32 to vector<1x128xi32>
    %add3A_84 = arith.addi %convert_element_type3A_81, %add3A_83 : vector<1x128xi32>
    %shift_right_arithmetic3A = arith.constant 7 : i32
    %shift_right_arithmetic3A_85 = vector.broadcast %shift_right_arithmetic3A : i32 to vector<1x128xi32>
    %shift_right_arithmetic3A_86 = arith.shrsi %add3A_84, %shift_right_arithmetic3A_85 : vector<1x128xi32>
    %shift_left3A_87 = arith.constant 7 : i32
    %shift_left3A_88 = vector.broadcast %shift_left3A_87 : i32 to vector<1x128xi32>
    %shift_left3A_89 = arith.shli %shift_right_arithmetic3A_86, %shift_left3A_88 : vector<1x128xi32>
    %iota3A_90 = tpu.iota {dimensions = array<i32: 0>} : vector<128x128xi32>
    %iota3A_91 = tpu.iota {dimensions = array<i32: 1>} : vector<128x128xi32>
    %lt3A_92 = arith.cmpi slt, %iota3A_90, %iota3A_91 : vector<128x128xi32>
    %convert_element_type3A_93 = arith.extui %lt3A_92 : vector<128x128xi1> to vector<128x128xi32>
    %convert_element_type3A_94 = arith.sitofp %convert_element_type3A_93 : vector<128x128xi32> to vector<128x128xf32>
    %convert_element_type3A_95 = arith.sitofp %shift_left3A_89 : vector<1x128xi32> to vector<1x128xf32>
    %dot_general3A_96 = arith.constant dense<0.000000e+00> : vector<1x128xf32>
    %dot_general3A_97 = tpu.matmul %convert_element_type3A_95, %convert_element_type3A_94, %dot_general3A_96 {dimension_numbers = #tpu.dot_dimension_numbers<[1], [0], [0], [1], [0, 0, 1, 1], [], []>, precision = #tpu.contract_precision<fp32>, transpose_lhs_hint = false} : vector<1x128xf32>, vector<128x128xf32>, vector<1x128xf32> -> vector<1x128xf32>
    %convert_element_type3A_98 = arith.extf %convert_element_type3A_69 : vector<2048x128xbf16> to vector<2048x128xf32>
    %convert_element_type3A_99 = arith.extf %convert_element_type3A_74 : vector<2048x128xbf16> to vector<2048x128xf32>
    %mul3A = arith.mulf %convert_element_type3A_98, %dot_general3A_76 : vector<2048x128xf32>
    %reduce_sum3A_100 = arith.constant dense<0.000000e+00> : vector<2048xf32>
    %reduce_sum3A_101 = vector.multi_reduction <add>, %mul3A, %reduce_sum3A_100 [1] : vector<2048x128xf32> to vector<2048xf32>
    %broadcast_in_dim3A_102 = vector.shape_cast %reduce_sum3A_101 : vector<2048xf32> to vector<2048x1xf32>
    %sub3A_103 = arith.constant 1.000000e+00 : f32
    %sub3A_104 = vector.broadcast %sub3A_103 : f32 to vector<2048x1xf32>
    %sub3A_105 = arith.subf %broadcast_in_dim3A_102, %sub3A_104 : vector<2048x1xf32>
    %add3A_106 = vector.broadcast %slice3A_79 : vector<1x128xf32> to vector<2048x128xf32>
    %add3A_107 = arith.addf %dot_general3A_78, %add3A_106 : vector<2048x128xf32>
    %mul3A_108 = arith.mulf %convert_element_type3A_99, %add3A_107 : vector<2048x128xf32>
    %reduce_sum3A_109 = arith.constant dense<0.000000e+00> : vector<2048xf32>
    %reduce_sum3A_110 = vector.multi_reduction <add>, %mul3A_108, %reduce_sum3A_109 [1] : vector<2048x128xf32> to vector<2048xf32>
    %broadcast_in_dim3A_111 = vector.shape_cast %reduce_sum3A_110 : vector<2048xf32> to vector<2048x1xf32>
    %sub3A_112 = arith.constant 1.000000e+00 : f32
    %sub3A_113 = vector.broadcast %sub3A_112 : f32 to vector<2048x1xf32>
    %sub3A_114 = arith.subf %broadcast_in_dim3A_111, %sub3A_113 : vector<2048x1xf32>
    %mul3A_115 = vector.broadcast %dot_general3A_97 : vector<1x128xf32> to vector<2048x128xf32>
    %mul3A_116 = arith.mulf %convert_element_type3A_98, %mul3A_115 : vector<2048x128xf32>
    %reduce_sum3A_117 = arith.constant dense<0.000000e+00> : vector<2048xf32>
    %reduce_sum3A_118 = vector.multi_reduction <add>, %mul3A_116, %reduce_sum3A_117 [1] : vector<2048x128xf32> to vector<2048xf32>
    %broadcast_in_dim3A_119 = vector.shape_cast %reduce_sum3A_118 : vector<2048xf32> to vector<2048x1xf32>
    %mul3A_120 = vector.broadcast %dot_general3A_97 : vector<1x128xf32> to vector<2048x128xf32>
    %mul3A_121 = arith.mulf %convert_element_type3A_99, %mul3A_120 : vector<2048x128xf32>
    %reduce_sum3A_122 = arith.constant dense<0.000000e+00> : vector<2048xf32>
    %reduce_sum3A_123 = vector.multi_reduction <add>, %mul3A_121, %reduce_sum3A_122 [1] : vector<2048x128xf32> to vector<2048xf32>
    %broadcast_in_dim3A_124 = vector.shape_cast %reduce_sum3A_123 : vector<2048xf32> to vector<2048x1xf32>
    %add3A_125 = arith.addf %broadcast_in_dim3A_119, %sub3A_105 : vector<2048x1xf32>
    %convert_element_type3A_126 = arith.fptosi %add3A_125 : vector<2048x1xf32> to vector<2048x1xi32>
    %swap3A_127 = arith.constant 0 : index
    %swap3A_128 = arith.constant 0 : index
    %swap3A_129 = vector.load %arg4[%swap3A_127, %swap3A_128] : memref<2048x1xi32, #tpu.memory_space<vmem>>, vector<2048x1xi32>
    tpu.vector_store %arg4[%swap3A_127, %swap3A_128], %convert_element_type3A_126 {strides = array<i32>} : memref<2048x1xi32, #tpu.memory_space<vmem>>, vector<2048x1xi32>,
    %add3A_130 = arith.addf %broadcast_in_dim3A_124, %sub3A_114 : vector<2048x1xf32>
    %convert_element_type3A_131 = arith.fptosi %add3A_130 : vector<2048x1xf32> to vector<2048x1xi32>
    %swap3A_132 = arith.constant 0 : index
    %swap3A_133 = arith.constant 0 : index
    %swap3A_134 = vector.load %arg5[%swap3A_132, %swap3A_133] : memref<2048x1xi32, #tpu.memory_space<vmem>>, vector<2048x1xi32>
    tpu.vector_store %arg5[%swap3A_132, %swap3A_133], %convert_element_type3A_131 {strides = array<i32>} : memref<2048x1xi32, #tpu.memory_space<vmem>>, vector<2048x1xi32>,
    %convert_element_type3A_135 = arith.sitofp %shift_left3A_89 : vector<1x128xi32> to vector<1x128xf32>
    %add3A_136 = arith.addf %dot_general3A_97, %convert_element_type3A_135 : vector<1x128xf32>
    %iota3A_137 = tpu.iota {dimensions = array<i32: 0>} : vector<128x128xi32>
    %mul3A_138 = arith.constant 128 : i32
    %mul3A_139 = vector.broadcast %mul3A_138 : i32 to vector<128x128xi32>
    %mul3A_140 = arith.muli %iota3A_137, %mul3A_139 : vector<128x128xi32>
    %convert_element_type3A_141 = arith.sitofp %mul3A_140 : vector<128x128xi32> to vector<128x128xf32>
    %ge3A_142 = vector.broadcast %add3A_136 : vector<1x128xf32> to vector<128x128xf32>
    %ge3A_143 = arith.cmpf oge, %convert_element_type3A_141, %ge3A_142 : vector<128x128xf32>
    %slice3A_144 = vector.extract_strided_slice %iota3A {offsets = [0, 0], sizes = [128, 128], strides = [1, 1]} : vector<2048x128xi32> to vector<128x128xi32>
    %lt3A_145 = arith.constant 8 : i32
    %lt3A_146 = vector.broadcast %lt3A_145 : i32 to vector<128x128xi32>
    %lt3A_147 = arith.cmpi slt, %slice3A_144, %lt3A_146 : vector<128x128xi32>
    %and3A = arith.andi %ge3A_143, %lt3A_147 : vector<128x128xi1>
    %convert_element_type3A_148 = arith.extui %and3A : vector<128x128xi1> to vector<128x128xi32>
    %reduce_sum3A_149 = arith.constant dense<0> : vector<128xi32>
    %reduce_sum3A_150 = vector.multi_reduction <add>, %convert_element_type3A_148, %reduce_sum3A_149 [1] : vector<128x128xi32> to vector<128xi32>
    %broadcast_in_dim3A_151 = vector.shape_cast %reduce_sum3A_150 : vector<128xi32> to vector<128x1xi32>
    %min3A = arith.constant 7 : i32
    %min3A_152 = vector.broadcast %min3A : i32 to vector<128x1xi32>
    %min3A_153 = arith.minsi %broadcast_in_dim3A_151, %min3A_152 : vector<128x1xi32>
    %swap3A_154 = arith.constant 0 : index
    %swap3A_155 = arith.constant 0 : index
    %swap3A_156 = vector.load %arg6[%swap3A_154, %swap3A_155] : memref<128x1xi32, #tpu.memory_space<vmem>>, vector<128x1xi32>
    tpu.vector_store %arg6[%swap3A_154, %swap3A_155], %min3A_153 {strides = array<i32>} : memref<128x1xi32, #tpu.memory_space<vmem>>, vector<128x1xi32>,
    return
  }
}

module attributes {stable_mosaic.version = 14 : i64} {
  func.func @_ffn_body(%arg0: i32, %arg1: memref<128xi32, #tpu.memory_space<smem>>, %arg2: memref<128x1024xi32, #tpu.memory_space<vmem>>, %arg3: memref<1x2048x1408xbf16, #tpu.memory_space<vmem>>, %arg4: memref<1x2048x1408xbf16, #tpu.memory_space<vmem>>, %arg5: memref<1x1408x2048xbf16, #tpu.memory_space<vmem>>, %arg6: memref<128x1024xi32, #tpu.memory_space<vmem>>) attributes {dimension_semantics = [#tpu.dimension_semantics<arbitrary>], iteration_bounds = array<i64: 40>, scalar_prefetch = 1 : i64, scratch_operands = 0 : i64, tpu.core_type = #tpu.core_type<tc>, window_params = [{transform_indices = @transform_0, window_bounds = array<i64: 128, 1024>}, {transform_indices = @transform_1, window_bounds = array<i64: 1, 2048, 1408>}, {transform_indices = @transform_2, window_bounds = array<i64: 1, 2048, 1408>}, {transform_indices = @transform_3, window_bounds = array<i64: 1, 1408, 2048>}, {transform_indices = @transform_4, window_bounds = array<i64: 128, 1024>}]} {
    %get3A = arith.constant 0 : index
    %get3A_0 = arith.constant 0 : index
    %get3A_1 = vector.load %arg2[%get3A, %get3A_0] : memref<128x1024xi32, #tpu.memory_space<vmem>>, vector<128x1024xi32>
    %bitcast_convert_type3A = tpu.bitcast %get3A_1 : vector<128x1024xi32> -> vector<128x1024xi32>
    %and3A = arith.constant 65535 : i32
    %and3A_2 = vector.broadcast %and3A : i32 to vector<128x1024xi32>
    %and3A_3 = arith.andi %bitcast_convert_type3A, %and3A_2 : vector<128x1024xi32>
    %convert_element_type3A = arith.trunci %and3A_3 : vector<128x1024xi32> to vector<128x1024xi16>
    %bitcast_convert_type3A_4 = tpu.bitcast %convert_element_type3A : vector<128x1024xi16> -> vector<128x1024xbf16>
    %shift_right_logical3A = arith.constant 16 : i32
    %shift_right_logical3A_5 = vector.broadcast %shift_right_logical3A : i32 to vector<128x1024xi32>
    %shift_right_logical3A_6 = arith.shrui %bitcast_convert_type3A, %shift_right_logical3A_5 : vector<128x1024xi32>
    %convert_element_type3A_7 = arith.trunci %shift_right_logical3A_6 : vector<128x1024xi32> to vector<128x1024xi16>
    %bitcast_convert_type3A_8 = tpu.bitcast %convert_element_type3A_7 : vector<128x1024xi16> -> vector<128x1024xbf16>
    %concatenate3A = tpu.concatenate %bitcast_convert_type3A_4, %bitcast_convert_type3A_8 in 1 : vector<128x1024xbf16>, vector<128x1024xbf16> -> vector<128x2048xbf16>
    %get3A_9 = arith.constant 0 : index
    %get3A_10 = arith.constant 0 : index
    %get3A_11 = arith.constant 0 : index
    %get3A_12 = vector.load %arg3[%get3A_9, %get3A_10, %get3A_11] : memref<1x2048x1408xbf16, #tpu.memory_space<vmem>>, vector<1x2048x1408xbf16>
    %get3A_13 = vector.shape_cast %get3A_12 : vector<1x2048x1408xbf16> to vector<2048x1408xbf16>
    %get3A_14 = arith.constant 0 : index
    %get3A_15 = arith.constant 0 : index
    %get3A_16 = arith.constant 0 : index
    %get3A_17 = vector.load %arg4[%get3A_14, %get3A_15, %get3A_16] : memref<1x2048x1408xbf16, #tpu.memory_space<vmem>>, vector<1x2048x1408xbf16>
    %get3A_18 = vector.shape_cast %get3A_17 : vector<1x2048x1408xbf16> to vector<2048x1408xbf16>
    %get3A_19 = arith.constant 0 : index
    %get3A_20 = arith.constant 0 : index
    %get3A_21 = arith.constant 0 : index
    %get3A_22 = vector.load %arg5[%get3A_19, %get3A_20, %get3A_21] : memref<1x1408x2048xbf16, #tpu.memory_space<vmem>>, vector<1x1408x2048xbf16>
    %get3A_23 = vector.shape_cast %get3A_22 : vector<1x1408x2048xbf16> to vector<1408x2048xbf16>
    %dot_general3A = arith.constant dense<0.000000e+00> : vector<128x1408xf32>
    %dot_general3A_24 = tpu.matmul %concatenate3A, %get3A_13, %dot_general3A {dimension_numbers = #tpu.dot_dimension_numbers<[1], [0], [0], [1], [0, 0, 1, 1], [], []>, transpose_lhs_hint = false} : vector<128x2048xbf16>, vector<2048x1408xbf16>, vector<128x1408xf32> -> vector<128x1408xf32>
    %dot_general3A_25 = arith.constant dense<0.000000e+00> : vector<128x1408xf32>
    %dot_general3A_26 = tpu.matmul %concatenate3A, %get3A_18, %dot_general3A_25 {dimension_numbers = #tpu.dot_dimension_numbers<[1], [0], [0], [1], [0, 0, 1, 1], [], []>, transpose_lhs_hint = false} : vector<128x2048xbf16>, vector<2048x1408xbf16>, vector<128x1408xf32> -> vector<128x1408xf32>
    %neg3A = arith.constant 0.000000e+00 : f32
    %neg3A_27 = vector.broadcast %neg3A : f32 to vector<128x1408xf32>
    %neg3A_28 = arith.subf %neg3A_27, %dot_general3A_24 : vector<128x1408xf32>
    %exp3A = math.exp %neg3A_28 : vector<128x1408xf32>
    %add3A = arith.constant 1.000000e+00 : f32
    %add3A_29 = vector.broadcast %add3A : f32 to vector<128x1408xf32>
    %add3A_30 = arith.addf %add3A_29, %exp3A : vector<128x1408xf32>
    %div3A = arith.constant 1.000000e+00 : f32
    %div3A_31 = vector.broadcast %div3A : f32 to vector<128x1408xf32>
    %div3A_32 = arith.divf %div3A_31, %add3A_30 : vector<128x1408xf32>
    %mul3A = arith.mulf %dot_general3A_24, %div3A_32 : vector<128x1408xf32>
    %mul3A_33 = arith.mulf %mul3A, %dot_general3A_26 : vector<128x1408xf32>
    %convert_element_type3A_34 = arith.truncf %mul3A_33 : vector<128x1408xf32> to vector<128x1408xbf16>
    %dot_general3A_35 = arith.constant dense<0.000000e+00> : vector<128x2048xf32>
    %dot_general3A_36 = tpu.matmul %convert_element_type3A_34, %get3A_23, %dot_general3A_35 {dimension_numbers = #tpu.dot_dimension_numbers<[1], [0], [0], [1], [0, 0, 1, 1], [], []>, transpose_lhs_hint = false} : vector<128x1408xbf16>, vector<1408x2048xbf16>, vector<128x2048xf32> -> vector<128x2048xf32>
    %convert_element_type3A_37 = arith.truncf %dot_general3A_36 : vector<128x2048xf32> to vector<128x2048xbf16>
    %slice3A = vector.extract_strided_slice %convert_element_type3A_37 {offsets = [0, 0], sizes = [128, 1024], strides = [1, 1]} : vector<128x2048xbf16> to vector<128x1024xbf16>
    %bitcast_convert_type3A_38 = tpu.bitcast %slice3A : vector<128x1024xbf16> -> vector<128x1024xi16>
    %convert_element_type3A_39 = arith.extui %bitcast_convert_type3A_38 : vector<128x1024xi16> to vector<128x1024xi32>
    %slice3A_40 = vector.extract_strided_slice %convert_element_type3A_37 {offsets = [0, 1024], sizes = [128, 1024], strides = [1, 1]} : vector<128x2048xbf16> to vector<128x1024xbf16>
    %bitcast_convert_type3A_41 = tpu.bitcast %slice3A_40 : vector<128x1024xbf16> -> vector<128x1024xi16>
    %convert_element_type3A_42 = arith.extui %bitcast_convert_type3A_41 : vector<128x1024xi16> to vector<128x1024xi32>
    %shift_left3A = arith.constant 16 : i32
    %shift_left3A_43 = vector.broadcast %shift_left3A : i32 to vector<128x1024xi32>
    %shift_left3A_44 = arith.shli %convert_element_type3A_42, %shift_left3A_43 : vector<128x1024xi32>
    %or3A = arith.ori %shift_left3A_44, %convert_element_type3A_39 : vector<128x1024xi32>
    %bitcast_convert_type3A_45 = tpu.bitcast %or3A : vector<128x1024xi32> -> vector<128x1024xi32>
    %swap3A = arith.constant 0 : index
    %swap3A_46 = arith.constant 0 : index
    %swap3A_47 = vector.load %arg6[%swap3A, %swap3A_46] : memref<128x1024xi32, #tpu.memory_space<vmem>>, vector<128x1024xi32>
    tpu.vector_store %arg6[%swap3A, %swap3A_46], %bitcast_convert_type3A_45 {strides = array<i32>} : memref<128x1024xi32, #tpu.memory_space<vmem>>, vector<128x1024xi32>,
    return
  }
  func.func @transform_0(%arg0: i32, %arg1: memref<128xi32, #tpu.memory_space<smem>>) -> (i32, i32) {
    %c0_i32 = arith.constant 0 : i32
    %c0_i32_0 = arith.constant 0 : i32
    return %arg0, %c0_i32 : i32, i32
  }
  func.func @transform_1(%arg0: i32, %arg1: memref<128xi32, #tpu.memory_space<smem>>) -> (i32, i32, i32) {
    %add3A = arith.constant 0 : i32
    %add3A_0 = arith.addi %add3A, %arg0 : i32
    %get3A = arith.index_cast %add3A_0 : i32 to index
    %get3A_1 = memref.load %arg1[%get3A] : memref<128xi32, #tpu.memory_space<smem>>
    %c0_i32 = arith.constant 0 : i32
    %c0_i32_2 = arith.constant 0 : i32
    %c0_i32_3 = arith.constant 0 : i32
    return %get3A_1, %c0_i32, %c0_i32_2 : i32, i32, i32
  }
  func.func @transform_2(%arg0: i32, %arg1: memref<128xi32, #tpu.memory_space<smem>>) -> (i32, i32, i32) {
    %add3A = arith.constant 0 : i32
    %add3A_0 = arith.addi %add3A, %arg0 : i32
    %get3A = arith.index_cast %add3A_0 : i32 to index
    %get3A_1 = memref.load %arg1[%get3A] : memref<128xi32, #tpu.memory_space<smem>>
    %c0_i32 = arith.constant 0 : i32
    %c0_i32_2 = arith.constant 0 : i32
    %c0_i32_3 = arith.constant 0 : i32
    return %get3A_1, %c0_i32, %c0_i32_2 : i32, i32, i32
  }
  func.func @transform_3(%arg0: i32, %arg1: memref<128xi32, #tpu.memory_space<smem>>) -> (i32, i32, i32) {
    %add3A = arith.constant 0 : i32
    %add3A_0 = arith.addi %add3A, %arg0 : i32
    %get3A = arith.index_cast %add3A_0 : i32 to index
    %get3A_1 = memref.load %arg1[%get3A] : memref<128xi32, #tpu.memory_space<smem>>
    %c0_i32 = arith.constant 0 : i32
    %c0_i32_2 = arith.constant 0 : i32
    %c0_i32_3 = arith.constant 0 : i32
    return %get3A_1, %c0_i32, %c0_i32_2 : i32, i32, i32
  }
  func.func @transform_4(%arg0: i32, %arg1: memref<128xi32, #tpu.memory_space<smem>>) -> (i32, i32) {
    %c0_i32 = arith.constant 0 : i32
    %c0_i32_0 = arith.constant 0 : i32
    return %arg0, %c0_i32 : i32, i32
  }
}

module attributes {stable_mosaic.version = 14 : i64} {
  func.func @_combine_body(%arg0: i32, %arg1: memref<128x2048xbf16, #tpu.memory_space<vmem>>, %arg2: memref<2048x1408xbf16, #tpu.memory_space<vmem>>, %arg3: memref<2048x1408xbf16, #tpu.memory_space<vmem>>, %arg4: memref<1408x2048xbf16, #tpu.memory_space<vmem>>, %arg5: memref<128x1024xi32, #tpu.memory_space<vmem>>, %arg6: memref<128x1024xi32, #tpu.memory_space<vmem>>, %arg7: memref<128x1xf32, #tpu.memory_space<vmem>>, %arg8: memref<128x1xf32, #tpu.memory_space<vmem>>, %arg9: memref<128x2048xf32, #tpu.memory_space<vmem>>) attributes {dimension_semantics = [#tpu.dimension_semantics<arbitrary>], iteration_bounds = array<i64: 16>, scalar_prefetch = 0 : i64, scratch_operands = 0 : i64, tpu.core_type = #tpu.core_type<tc>, window_params = [{transform_indices = @transform_0, window_bounds = array<i64: 128, 2048>}, {pipeline_mode = #tpu.pipeline_mode<synchronous>, transform_indices = @transform_1, window_bounds = array<i64: 2048, 1408>}, {pipeline_mode = #tpu.pipeline_mode<synchronous>, transform_indices = @transform_2, window_bounds = array<i64: 2048, 1408>}, {pipeline_mode = #tpu.pipeline_mode<synchronous>, transform_indices = @transform_3, window_bounds = array<i64: 1408, 2048>}, {transform_indices = @transform_4, window_bounds = array<i64: 128, 1024>}, {transform_indices = @transform_5, window_bounds = array<i64: 128, 1024>}, {transform_indices = @transform_6, window_bounds = array<i64: 128, 1>}, {transform_indices = @transform_7, window_bounds = array<i64: 128, 1>}, {transform_indices = @transform_8, window_bounds = array<i64: 128, 2048>}]} {
    %get3A = arith.constant 0 : index
    %get3A_0 = arith.constant 0 : index
    %get3A_1 = vector.load %arg1[%get3A, %get3A_0] : memref<128x2048xbf16, #tpu.memory_space<vmem>>, vector<128x2048xbf16>
    %get3A_2 = arith.constant 0 : index
    %get3A_3 = arith.constant 0 : index
    %get3A_4 = vector.load %arg2[%get3A_2, %get3A_3] : memref<2048x1408xbf16, #tpu.memory_space<vmem>>, vector<2048x1408xbf16>
    %dot_general3A = arith.constant dense<0.000000e+00> : vector<128x1408xf32>
    %dot_general3A_5 = tpu.matmul %get3A_1, %get3A_4, %dot_general3A {dimension_numbers = #tpu.dot_dimension_numbers<[1], [0], [0], [1], [0, 0, 1, 1], [], []>, transpose_lhs_hint = false} : vector<128x2048xbf16>, vector<2048x1408xbf16>, vector<128x1408xf32> -> vector<128x1408xf32>
    %get3A_6 = arith.constant 0 : index
    %get3A_7 = arith.constant 0 : index
    %get3A_8 = vector.load %arg3[%get3A_6, %get3A_7] : memref<2048x1408xbf16, #tpu.memory_space<vmem>>, vector<2048x1408xbf16>
    %dot_general3A_9 = arith.constant dense<0.000000e+00> : vector<128x1408xf32>
    %dot_general3A_10 = tpu.matmul %get3A_1, %get3A_8, %dot_general3A_9 {dimension_numbers = #tpu.dot_dimension_numbers<[1], [0], [0], [1], [0, 0, 1, 1], [], []>, transpose_lhs_hint = false} : vector<128x2048xbf16>, vector<2048x1408xbf16>, vector<128x1408xf32> -> vector<128x1408xf32>
    %neg3A = arith.constant 0.000000e+00 : f32
    %neg3A_11 = vector.broadcast %neg3A : f32 to vector<128x1408xf32>
    %neg3A_12 = arith.subf %neg3A_11, %dot_general3A_5 : vector<128x1408xf32>
    %exp3A = math.exp %neg3A_12 : vector<128x1408xf32>
    %add3A = arith.constant 1.000000e+00 : f32
    %add3A_13 = vector.broadcast %add3A : f32 to vector<128x1408xf32>
    %add3A_14 = arith.addf %add3A_13, %exp3A : vector<128x1408xf32>
    %div3A = arith.constant 1.000000e+00 : f32
    %div3A_15 = vector.broadcast %div3A : f32 to vector<128x1408xf32>
    %div3A_16 = arith.divf %div3A_15, %add3A_14 : vector<128x1408xf32>
    %mul3A = arith.mulf %dot_general3A_5, %div3A_16 : vector<128x1408xf32>
    %mul3A_17 = arith.mulf %mul3A, %dot_general3A_10 : vector<128x1408xf32>
    %convert_element_type3A = arith.truncf %mul3A_17 : vector<128x1408xf32> to vector<128x1408xbf16>
    %get3A_18 = arith.constant 0 : index
    %get3A_19 = arith.constant 0 : index
    %get3A_20 = vector.load %arg4[%get3A_18, %get3A_19] : memref<1408x2048xbf16, #tpu.memory_space<vmem>>, vector<1408x2048xbf16>
    %dot_general3A_21 = arith.constant dense<0.000000e+00> : vector<128x2048xf32>
    %dot_general3A_22 = tpu.matmul %convert_element_type3A, %get3A_20, %dot_general3A_21 {dimension_numbers = #tpu.dot_dimension_numbers<[1], [0], [0], [1], [0, 0, 1, 1], [], []>, transpose_lhs_hint = false} : vector<128x1408xbf16>, vector<1408x2048xbf16>, vector<128x2048xf32> -> vector<128x2048xf32>
    %get3A_23 = arith.constant 0 : index
    %get3A_24 = arith.constant 0 : index
    %get3A_25 = vector.load %arg5[%get3A_23, %get3A_24] : memref<128x1024xi32, #tpu.memory_space<vmem>>, vector<128x1024xi32>
    %bitcast_convert_type3A = tpu.bitcast %get3A_25 : vector<128x1024xi32> -> vector<128x1024xi32>
    %and3A = arith.constant 65535 : i32
    %and3A_26 = vector.broadcast %and3A : i32 to vector<128x1024xi32>
    %and3A_27 = arith.andi %bitcast_convert_type3A, %and3A_26 : vector<128x1024xi32>
    %convert_element_type3A_28 = arith.trunci %and3A_27 : vector<128x1024xi32> to vector<128x1024xi16>
    %bitcast_convert_type3A_29 = tpu.bitcast %convert_element_type3A_28 : vector<128x1024xi16> -> vector<128x1024xbf16>
    %shift_right_logical3A = arith.constant 16 : i32
    %shift_right_logical3A_30 = vector.broadcast %shift_right_logical3A : i32 to vector<128x1024xi32>
    %shift_right_logical3A_31 = arith.shrui %bitcast_convert_type3A, %shift_right_logical3A_30 : vector<128x1024xi32>
    %convert_element_type3A_32 = arith.trunci %shift_right_logical3A_31 : vector<128x1024xi32> to vector<128x1024xi16>
    %bitcast_convert_type3A_33 = tpu.bitcast %convert_element_type3A_32 : vector<128x1024xi16> -> vector<128x1024xbf16>
    %concatenate3A = tpu.concatenate %bitcast_convert_type3A_29, %bitcast_convert_type3A_33 in 1 : vector<128x1024xbf16>, vector<128x1024xbf16> -> vector<128x2048xbf16>
    %convert_element_type3A_34 = arith.extf %concatenate3A : vector<128x2048xbf16> to vector<128x2048xf32>
    %get3A_35 = arith.constant 0 : index
    %get3A_36 = arith.constant 0 : index
    %get3A_37 = vector.load %arg6[%get3A_35, %get3A_36] : memref<128x1024xi32, #tpu.memory_space<vmem>>, vector<128x1024xi32>
    %bitcast_convert_type3A_38 = tpu.bitcast %get3A_37 : vector<128x1024xi32> -> vector<128x1024xi32>
    %and3A_39 = arith.constant 65535 : i32
    %and3A_40 = vector.broadcast %and3A_39 : i32 to vector<128x1024xi32>
    %and3A_41 = arith.andi %bitcast_convert_type3A_38, %and3A_40 : vector<128x1024xi32>
    %convert_element_type3A_42 = arith.trunci %and3A_41 : vector<128x1024xi32> to vector<128x1024xi16>
    %bitcast_convert_type3A_43 = tpu.bitcast %convert_element_type3A_42 : vector<128x1024xi16> -> vector<128x1024xbf16>
    %shift_right_logical3A_44 = arith.constant 16 : i32
    %shift_right_logical3A_45 = vector.broadcast %shift_right_logical3A_44 : i32 to vector<128x1024xi32>
    %shift_right_logical3A_46 = arith.shrui %bitcast_convert_type3A_38, %shift_right_logical3A_45 : vector<128x1024xi32>
    %convert_element_type3A_47 = arith.trunci %shift_right_logical3A_46 : vector<128x1024xi32> to vector<128x1024xi16>
    %bitcast_convert_type3A_48 = tpu.bitcast %convert_element_type3A_47 : vector<128x1024xi16> -> vector<128x1024xbf16>
    %concatenate3A_49 = tpu.concatenate %bitcast_convert_type3A_43, %bitcast_convert_type3A_48 in 1 : vector<128x1024xbf16>, vector<128x1024xbf16> -> vector<128x2048xbf16>
    %convert_element_type3A_50 = arith.extf %concatenate3A_49 : vector<128x2048xbf16> to vector<128x2048xf32>
    %get3A_51 = arith.constant 0 : index
    %get3A_52 = arith.constant 0 : index
    %get3A_53 = vector.load %arg7[%get3A_51, %get3A_52] : memref<128x1xf32, #tpu.memory_space<vmem>>, vector<128x1xf32>
    %mul3A_54 = vector.broadcast %get3A_53 : vector<128x1xf32> to vector<128x2048xf32>
    %mul3A_55 = arith.mulf %mul3A_54, %convert_element_type3A_34 : vector<128x2048xf32>
    %add3A_56 = arith.addf %dot_general3A_22, %mul3A_55 : vector<128x2048xf32>
    %get3A_57 = arith.constant 0 : index
    %get3A_58 = arith.constant 0 : index
    %get3A_59 = vector.load %arg8[%get3A_57, %get3A_58] : memref<128x1xf32, #tpu.memory_space<vmem>>, vector<128x1xf32>
    %mul3A_60 = vector.broadcast %get3A_59 : vector<128x1xf32> to vector<128x2048xf32>
    %mul3A_61 = arith.mulf %mul3A_60, %convert_element_type3A_50 : vector<128x2048xf32>
    %add3A_62 = arith.addf %add3A_56, %mul3A_61 : vector<128x2048xf32>
    %swap3A = arith.constant 0 : index
    %swap3A_63 = arith.constant 0 : index
    %swap3A_64 = vector.load %arg9[%swap3A, %swap3A_63] : memref<128x2048xf32, #tpu.memory_space<vmem>>, vector<128x2048xf32>
    tpu.vector_store %arg9[%swap3A, %swap3A_63], %add3A_62 {strides = array<i32>} : memref<128x2048xf32, #tpu.memory_space<vmem>>, vector<128x2048xf32>,
    return
  }
  func.func @transform_0(%arg0: i32) -> (i32, i32) {
    %c0_i32 = arith.constant 0 : i32
    %c0_i32_0 = arith.constant 0 : i32
    return %arg0, %c0_i32 : i32, i32
  }
  func.func @transform_1(%arg0: i32) -> (i32, i32) {
    %c0_i32 = arith.constant 0 : i32
    %c0_i32_0 = arith.constant 0 : i32
    %c0_i32_1 = arith.constant 0 : i32
    return %c0_i32, %c0_i32_0 : i32, i32
  }
  func.func @transform_2(%arg0: i32) -> (i32, i32) {
    %c0_i32 = arith.constant 0 : i32
    %c0_i32_0 = arith.constant 0 : i32
    %c0_i32_1 = arith.constant 0 : i32
    return %c0_i32, %c0_i32_0 : i32, i32
  }
  func.func @transform_3(%arg0: i32) -> (i32, i32) {
    %c0_i32 = arith.constant 0 : i32
    %c0_i32_0 = arith.constant 0 : i32
    %c0_i32_1 = arith.constant 0 : i32
    return %c0_i32, %c0_i32_0 : i32, i32
  }
  func.func @transform_4(%arg0: i32) -> (i32, i32) {
    %c0_i32 = arith.constant 0 : i32
    %c0_i32_0 = arith.constant 0 : i32
    return %arg0, %c0_i32 : i32, i32
  }
  func.func @transform_5(%arg0: i32) -> (i32, i32) {
    %c0_i32 = arith.constant 0 : i32
    %c0_i32_0 = arith.constant 0 : i32
    return %arg0, %c0_i32 : i32, i32
  }
  func.func @transform_6(%arg0: i32) -> (i32, i32) {
    %c0_i32 = arith.constant 0 : i32
    %c0_i32_0 = arith.constant 0 : i32
    return %arg0, %c0_i32 : i32, i32
  }
  func.func @transform_7(%arg0: i32) -> (i32, i32) {
    %c0_i32 = arith.constant 0 : i32
    %c0_i32_0 = arith.constant 0 : i32
    return %arg0, %c0_i32 : i32, i32
  }
  func.func @transform_8(%arg0: i32) -> (i32, i32) {
    %c0_i32 = arith.constant 0 : i32
    %c0_i32_0 = arith.constant 0 : i32
    return %arg0, %c0_i32 : i32, i32
  }
}

</mosaic_0001>

<sc_bundles>
// kernel: kernel.10.cloned.1.call-start
scs
__scs_entry_jumppad:
0x0: {  	(pc) =	sbr.rel $0x88, $3  }
0x1: {  	(tag) =	ssettag $0x0;
	lr =	simm.s32 $0x1  }
0x2: {  	[smem:$0x3F99] =	sst lr;
	_ =	strace $0xD0000000  }
0x3: {  	_ = 	snop  }
0x4: {  	_ = 	snop  }
0x5: {  	_ = 	snop  }
0x6: {  	_ = 	snop  }
0x7: {  	_ = 	snop  }
__scs_overlays_trampoline_lowered:
0x8: {  	[smem:$0x3FA8] =	sst s0  }
0x9: {  	[smem:$0x3FA9] =	sst s1  }
0xa: {  	[smem:$0x3FAA] =	sst s2  }
0xb: {  	[smem:$0x3FAB] =	sst s3  }
0xc: {  	[smem:$0x3FAC] =	sst s4  }
0xd: {  	[smem:$0x3FAD] =	sst s5  }
0xe: {  	[smem:$0x3FAE] =	sst s6  }
0xf: {  	[smem:$0x3FAF] =	sst s7  }
0x10: {  	[smem:$0x3FB0] =	sst s8  }
0x11: {  	[smem:$0x3FB1] =	sst s9;
	s0 =	simm.s32 @!p0 $0x0  }
0x12: {  	s1 =	sld [smem:$0x3F97];
	s0 =	simm.s32 @p0 $0x1  }
0x13: {  	[smem:$0x3FB2] =	sst s0;
	s0 =	simm.s32 @!p1 $0x0  }
0x14: {  	s2 =	sld [smem:$0x3F96];
	s0 =	simm.s32 @p1 $0x1  }
0x15: {  	[smem:$0x3FB3] =	sst s0;
	s0 =	simm.s32 @!p2 $0x0  }
0x16: {  	s3 =	sld [smem:$0x3FDB];
	s0 =	simm.s32 @p2 $0x1  }
0x17: {  	s4 =	simm.s32 $0x1BF5;
	[smem:$0x3FB5] =	sst s0  }
0x18: {  	s0 =	sld [smem:$0x3F98];
	_ =	swait.ge [sflag:s4], $0x0  }
0x19: {  	s7 =	sld [smem:$0x3F99]  }
0x1a: {  	s8 =	sadd.s32 $0xFFFFE003, lr  }
0x1b: {  	s9 =	sadd.s32 $0xFFFFFEF7, lr;
	s5 =	simm.s32 $0xFFFFFFFF;
	p2 =	slt.u32 s8, $0xFFFFF086  }
0x1c: {  	p1 =	slt.u32 s9, $0xF7A;
	s5 =	simm.s32 @!p2 $0x0  }
0x1d: {  	s5 =	simm.s32 @p1 $0x1;
	p0 =	seq.s32 s7, s2  }
0x1e: {  	s7 =	smul.u32 @!p0 $0xF7A, s2;
	p2 =	seq.s32 @!p0 s5, $0x0  }
0x1f: {  	s9 =	smul.u32 $0xF7A, s1;
	s8 =	simm.s32 @!p0 $0x1BF5;
	p2 =	por !p2, p0  }
0x20: {  	[sflag:s8] =	ssyncset.s32 @!p0 $0xFFFFF086;
	s6 =	sadd.s32 @!p0 s3, s7;
	s7 =	simm.s32 @!p0 $0x108  }
0x21: {  	s3 =	sadd.s32 s3, s9;
	s6 =	sadd.s32 @!p0 $0x88, s6;
	s7 =	simm.s32 @p2 $0x1082  }
0x22: {  	[simem:s7], [sflag:s8] =	dma.local @!p0 [hbm:s6], $0xF7A  }
0x23: {  	s9 =	sor.u32 $0xD0000000, s2;
	s6 =	simm.s32 $0x108;
	_ =	swait.ge @!p0 [sflag:s8], $0x0  }
0x24: {  	s3 =	sadd.s32 $0x88, s3;
	s6 =	simm.s32 @!p1 $0x1082;
	[sflag:s4] =	ssyncset.s32 $0xFFFFF086  }
0x25: {  	[simem:s6], [sflag:s4] =	dma.local [hbm:s3], $0xF7A  }
0x26: {  	[smem:$0x3F99] =	sst s1;
	(tag) =	ssettag s2;
	_ =	strace s9  }
0x27: {  	s1 =	sld [smem:$0x3FA9]  }
0x28: {  	s2 =	sld [smem:$0x3FAA]  }
0x29: {  	s4 =	sld [smem:$0x3FAC]  }
0x2a: {  	p0 =	seq.s32 s5, $0x0;
	s5 =	sld [smem:$0x3FAD]  }
0x2b: {  	s6 =	sld [smem:$0x3FAE]  }
0x2c: {  	s7 =	sld [smem:$0x3FAF]  }
0x2d: {  	s3 =	simm.s32 $0x108;
	s8 =	sld [smem:$0x3FB0]  }
0x2e: {  	s3 =	simm.s32 @!p0 $0x1082;
	s9 =	sld [smem:$0x3FB1]  }
0x2f: {  	lr =	sadd.s32 s0, s3;
	s0 =	sld [smem:$0x3FA8]  }
0x30: {  	s3 =	sld [smem:$0x3FAB]  }
0x31: {  	[smem:$0x3FB4] =	sst s10  }
0x32: {  	s10 =	sld [smem:$0x3FB2];
	_ =	sdelay $0x3  }
0x33: {  	p0 =	seq.s32 s10, $0x1;
	s10 =	sld [smem:$0x3FB4];
	_ =	sdelay $0x3  }
0x34: {  	[smem:$0x3FB4] =	sst s10  }
0x35: {  	s10 =	sld [smem:$0x3FB3];
	_ =	sdelay $0x3  }
0x36: {  	p1 =	seq.s32 s10, $0x1;
	s10 =	sld [smem:$0x3FB4];
	_ =	sdelay $0x3  }
0x37: {  	[smem:$0x3FB4] =	sst s10  }
0x38: {  	s10 =	sld [smem:$0x3FB5]  }
0x39: {  	_ = 	snop;
	(pc) =	sbr.ind lr, $3  }
0x3a: {  	_ = 	snop  }
0x3b: {  	_ = 	snop  }
0x3c: {  	p2 =	seq.s32 s10, $0x1;
	s10 =	sld [smem:$0x3FB4]  }
0x3d: {  	_ =	shalt  }
0x3e: {  	_ =	shalt  }
0x3f: {  	_ =	shalt  }
0x40: {  	_ =	shalt  }
0x41: {  	_ =	shalt  }
0x42: {  	_ =	shalt  }
0x43: {  	_ =	shalt  }
0x44: {  	_ =	shalt  }
0x45: {  	_ =	shalt  }
0x46: {  	_ =	shalt  }
0x47: {  	_ =	shalt  }
0x48: {  	_ =	shalt  }
0x49: {  	_ =	shalt  }
0x4a: {  	_ =	shalt  }
0x4b: {  	_ =	shalt  }
0x4c: {  	_ =	shalt  }
0x4d: {  	_ =	shalt  }
0x4e: {  	_ =	shalt  }
0x4f: {  	_ =	shalt  }
0x50: {  	_ =	shalt  }
0x51: {  	_ =	shalt  }
0x52: {  	_ =	shalt  }
0x53: {  	_ =	shalt  }
0x54: {  	_ =	shalt  }
0x55: {  	_ =	shalt  }
0x56: {  	_ =	shalt  }
0x57: {  	_ =	shalt  }
0x58: {  	_ =	shalt  }
0x59: {  	_ =	shalt  }
0x5a: {  	_ =	shalt  }
0x5b: {  	_ =	shalt  }
0x5c: {  	_ =	shalt  }
0x5d: {  	_ =	shalt  }
0x5e: {  	_ =	shalt  }
0x5f: {  	_ =	shalt  }
0x60: {  	_ =	shalt  }
0x61: {  	_ =	shalt  }
0x62: {  	_ =	shalt  }
0x63: {  	_ =	shalt  }
0x64: {  	_ =	shalt  }
0x65: {  	_ =	shalt  }
0x66: {  	_ =	shalt  }
0x67: {  	_ =	shalt  }
0x68: {  	_ =	shalt  }
0x69: {  	_ =	shalt  }
0x6a: {  	_ =	shalt  }
0x6b: {  	_ =	shalt  }
0x6c: {  	_ =	shalt  }
0x6d: {  	_ =	shalt  }
0x6e: {  	_ =	shalt  }
0x6f: {  	_ =	shalt  }
0x70: {  	_ =	shalt  }
0x71: {  	_ =	shalt  }
0x72: {  	_ =	shalt  }
0x73: {  	_ =	shalt  }
0x74: {  	_ =	shalt  }
0x75: {  	_ =	shalt  }
0x76: {  	_ =	shalt  }
0x77: {  	_ =	shalt  }
0x78: {  	_ =	shalt  }
0x79: {  	_ =	shalt  }
0x7a: {  	_ =	shalt  }
0x7b: {  	_ =	shalt  }
0x7c: {  	_ =	shalt  }
0x7d: {  	_ =	shalt  }
0x7e: {  	_ =	shalt  }
0x7f: {  	_ =	shalt  }
0x80: {  	_ =	shalt  }
0x81: {  	_ =	shalt  }
0x82: {  	_ =	shalt  }
0x83: {  	_ =	shalt  }
0x84: {  	_ =	shalt  }
0x85: {  	_ =	shalt  }
0x86: {  	_ =	shalt  }
0x87: {  	_ =	shalt  }
.Lfunc_end0:
.L_simem_size_0:
called_computation.1_lowered:
.L_overlay_start_0:
0x88: {  	s2 =	sld [smem:$0x3FD9]  }
0x89: {  	s3 =	sld [smem:$0x3FFE];
	_ =	sdelay $0x1  }
0x8a: {  	s1 =	srdreg.scid  }
0x8b: {  	s0 =	sand.u32 $0x1, s1  }
0x8c: {  	s16 =	sshll.u32 s0, $0xA;
	s2 =	sadd.s32 s3, s2  }
0x8d: {  	s2 =	sadd.s32 s2, s16  }
0x8e: {  	[smem:$0x3FC0] =	sst s2  }
0x8f: {  	_ = 	snop  }
0x90: {  	(tm) =	ssettm $0x1  }
0x91: {  	s17 =	sld [smem:$0x3FFB];
	_ =	sdelay $0x3  }
0x92: {  	_ =	strace s17  }
0x93: {  	s2 =	sld [smem:$0x3FFC];
	_ =	sdelay $0x3  }
0x94: {  	_ =	strace s2  }
0x95: {  	s2 =	sld [smem:$0x3FFD];
	_ =	sdelay $0x3  }
0x96: {  	_ =	strace s2  }
0x97: {  	_ =	strace $0x8FFFFFFF  }
0x98: {  	s18 =	sld [smem:$0x3FDB];
	_ =	sdelay $0x1  }
0x99: {  	s19 =	simm.s32 $_scs_section_size  }
0x9a: {  	s4 =	simm.s32 $_size__tile_overlayer_lowered;
	s5 =	simm.s32 $_tile_overlayer_lowered  }
0x9b: {  	s22 =	simm.s32 $0x1BFF;
	s21 =	sshll.u32 s5, $0x1;
	s2 =	sadd.s32 s19, s18  }
0x9c: {  	s6 =	simm.s32 $0x0;
	s20 =	sshll.u32 s4, $0x1;
	s4 =	sadd.s32 s21, s2  }
0x9d: {  	[timem:s6], [sflag:s22] =	dma.local [hbm:s4], s20  }
0x9e: {  	_ =	swait.ge [sflag:s22], s20  }
0x9f: {  	s3 =	ssub.s32 $0x0, s20;
	[sflag:s22] =	ssyncset.done $0x0  }
0xa0: {  	[sflag:s22] =	ssyncadd.s32 s3;
	_ =	sdelay $0x1  }
0xa1: {  	s23 =	simm.s32 $0x1B8B  }
0xa2: {  	_ =	swait.ge [sflag:s23], $0x1  }
0xa3: {  	[sflag:s23] =	ssyncset.done $0x0  }
0xa4: {  	s25 =	simm.s32 $0x1B8E;
	s24 =	sld [smem:$0x3FFE];
	[sflag:s23] =	ssyncadd.s32 $0xFFFFFFFF  }
0xa5: {  	s26 =	simm.s32 $execute0_lowered;
	[smem:$0x3FD2] =	sst s25  }
0xa6: {  	s4 =	sshll.u32 s26, $0x1;
	_ =	strace $0x80000049;
	[dreg:$0x1] =	wrdreg $0xFFFFFFFF  }
0xa7: {  	s28 =	simm.s32 $_size_execute0_lowered;
	s2 =	sadd.s32 s2, s4;
	[dreg:$0x0] =	wrdreg $0x0  }
0xa8: {  	s4 =	sshll.u32 s28, $0x1;
	[dreg:$0x2] =	wrdreg s2  }
0xa9: {  	[dreg:$0x3] =	wrdreg s4  }
0xaa: {  	[dreg:$0x4] =	wrdreg $0xC0  }
0xab: {  	_ =	task [dreg:s6], $0x5FFFF  }
0xac: {  	[dreg:$0x1] =	wrdreg $0xFFFFFFFF  }
0xad: {  	[dreg:$0x0] =	wrdreg $0x60  }
0xae: {  	[dreg:$0x2] =	wrdreg s24  }
0xaf: {  	[dreg:$0x3] =	wrdreg $0x9  }
0xb0: {  	_ =	task.clear_ibuf [dreg:s6], $0x4FFFF;
	_ =	strace $0x90000049  }
0xb1: {  	s29 =	simm.s32 $0x9;
	_ =	strace $0x8000004B  }
0xb2: {  	_ =	swait.ge [sflag:s29], $0x1  }
0xb3: {  	[sflag:s29] =	ssyncadd.s32 $0xFFFFFFFF  }
0xb4: {  	_ =	strace $0x9000004B  }
0xb5: {  	_ =	sfence  }
0xb6: {  	s30 =	sld [smem:$0x0];
	_ =	sdelay $0x2  }
0xb7: {  	s31 =	sshll.u32 s1, $0xD;
	s1 =	sshrl.u32 s1, $0x2  }
0xb8: {  	s3 =	sand.u32 $0x4000, s31;
	s1 =	sadd.s32 s1, s30  }
0xb9: {  	s0 =	sor.u32 s3, s0;
	s1 =	sshll.u32 s1, $0x11  }
0xba: {  	s0 =	sor.u32 s1, s0  }
0xbb: {  	s0 =	sadd.s32 $0x8F2B, s0  }
0xbc: {  	[sflag:s0] =	ssyncadd.remote.s32 $0x1  }
0xbd: {  	_ =	sfence.sel $0xFFFF  }
0xbe: {  	[dreg:$0x0] =	wrdreg $0xFFFFFFFF;
	(pc) =	sbr.abs _section_cstart, $3  }
0xbf: {  	[dreg:$0x1] =	wrdreg $0xFFFFFFFF  }
0xc0: {  	_ =	task.clear_ibuf [dreg:s6], $0x2FFFF;
	_ =	strace $0x9FFFFFFF  }
0xc1: {  	(tm) =	ssettm $0x7FFFFFFF  }
tec
execute0_lowered:
.L_overlay_start_1:
0x0: {  	(tag) =	ssettag $0x1  }
0x1: {  	s0 =	rddreg [dreg:$0x0];
	s2 =	simm.s32 $0x0;
	s1 =	srdreg.scid  }
0x2: {  	s3 =	stileid.u32;
	s28 =	simm.s32 $0x1900;
	s29 =	simm.s32 $0x2100  }
0x3: {  	s30 =	simm.s32 $0x2900;
	s31 =	simm.s32 $0x3100;
	s12 =	simm.s32 $0x5900  }
0x4: {  	s13 =	simm.s32 $0x6100;
	s14 =	simm.s32 $0x6900;
	s15 =	simm.s32 $0x7100  }
0x5: {  	s16 =	simm.s32 $0x7900;
	s17 =	simm.s32 $0x80;
	s19 =	simm.s32 $0x8100  }
0x6: {  	s18 =	simm.s32 $0x8900;
	[smem:$0x7FF] =	sst s2;
	s1 =	sand.u32 $0x1, s1  }
0x7: {  	s4 =	sshll.u32 s3, $0x7;
	s3 =	sadd.s32 $0x4EA600, s0;
	s6 =	sadd.s32 $0x1E00, s0  }
0x8: {  	s20 =	sadd.s32 $0x2000, s0;
	s9 =	sadd.s32 $0x2A600, s0;
	s5 =	sshll.u32 s1, $0x6  }
0x9: {  	s21 =	sadd.s32 $0x6A600, s0;
	s1 =	ssub.s32 $0x2, s1;
	s4 =	sor.u32 s5, s4  }
0xa: {  	_ =	strace $0x8000004A;
	s25 =	sshrl.u32 s1, $0x1;
	s7 =	sor.u32 $0x20, s4  }
0xb: {  	s8 =	sshrl.u32 s4, $0x3;
	s4 =	sshll.u32 s4, $0x7;
	s1 =	ssub.s32 s1, s25  }
0xc: {  	s25 =	simm.s32 $0x1100;
	s10 =	sadd.s32 s6, s8;
	s11 =	sshrl.u32 s7, $0x3  }
0xd: {  	s22 =	sadd.s32 s9, s4;
	s23 =	sadd.s32 s20, s8;
	s7 =	sshll.u32 s7, $0x7  }
0xe: {  	s26 =	sadd.s32 s21, s4;
	s4 =	sadd.s32 $0x4EA700, s0;
	[dreg:$0x2] =	wrdreg s10  }
0xf: {  	s8 =	simm.s32 $0x5;
	s6 =	sadd.s32 s6, s11;
	[dreg:$0x4] =	wrdreg s22  }
0x10: {  	[dreg:$0x5] =	wrdreg s23;
	s24 =	sadd.s32 s9, s7;
	s5 =	sadd.s32 s20, s11  }
0x11: {  	[dreg:$0x8] =	wrdreg s26;
	s7 =	sadd.s32 s21, s7;
	s9 =	simm.s32 $0x1  }
0x12: {  	s20 =	simm.s32 $0x3;
	s21 =	simm.s32 $0x2;
	[dreg:$0x3] =	wrdreg s6  }
0x13: {  	s22 =	simm.s32 $0x4;
	s26 =	simm.s32 $0x100;
	[dreg:$0x6] =	wrdreg s24  }
0x14: {  	v2 =	vlaneseq.u32;
	s10 =	simm.s32 $0x4900;
	s11 =	simm.s32 $0x5100;
	[dreg:$0x7] =	wrdreg s5  }
0x15: {  	vm0 =	vmmov $0xffff;
	v1 =	vshrl.u32 v2, $0x3;
	s5 =	sadd.s32 $0x4EA800, s0;
	s6 =	sadd.s32 $0x4EA900, s0;
	[dreg:$0x9] =	wrdreg s7  }
0x16: {  	v0 =	vand.u32 $0x7, v2;
	v2 =	vor.u32 $0x8, v2;
	v1 =	vmul.u32 $0x8, v1;
	s7 =	smax.u32 s1, $0x1;
	s24 =	simm.s32 $0x900;
	s1 =	simm.s32 $0x4100  }
.LBB2_1:
0x17: {  	s23 =	rddreg [dreg:$0x2]  }
0x18: {  	[tilespmem:s2], [sflag:$0x5] =	stream.linear.gather [hbm4b:s23+s2], $0x20, $0x38;
	[tilespmem:$0x10100] =	vst v63  }
0x19: {  	_ =	swait.ge [sflag:s8], $0x20  }
0x1a: {  	[sflag:s8] =	ssyncset.done $0x0  }
0x1b: {  	[sflag:s8] =	ssyncadd.s32 $0xFFFFFFE0  }
0x1c: {  	v3 =	vld [tilespmem:$0x0];
	_ =	sdelay $0x4  }
0x1d: {  	v4 =	vshll.u32 v3, $0x3  }
0x1e: {  	v3 =	vand.u32 $0x7, v3;
	v4 =	vand.u32 $0xFFFFFFC0, v4  }
0x1f: {  	v3 =	vor.u32 v3, v4  }
0x20: {  	v4 =	vperm.xlane v3, v0;
	_ =	sdelay $0x1  }
0x21: {  	v4 =	vadd.s32 v1, v4;
	_ =	sdelay $0x4  }
0x22: {  	[tilespmem:s26], [sflag:$0x1] =	stream.indirect_vreg.gather [hbm4b:s3+s2], $0x80, v4, vm0, $0xb8;
	[tilespmem:$0x10100] =	vst v63  }
0x23: {  	v3 =	vperm.xlane v3, v2  }
0x24: {  	[tilespmem:s24], [sflag:$0x1] =	stream.indirect_vreg.gather [hbm4b:s4+s2], $0x80, v4, vm0, $0xb8;
	[tilespmem:$0x10100] =	vst v63  }
0x25: {  	v3 =	vadd.s32 v1, v3  }
0x26: {  	[tilespmem:s25], [sflag:$0x1] =	stream.indirect_vreg.gather [hbm4b:s5+s2], $0x80, v4, vm0, $0xb8;
	[tilespmem:$0x10100] =	vst v63  }
0x27: {  	_ = 	snop  }
0x28: {  	[tilespmem:s28], [sflag:$0x1] =	stream.indirect_vreg.gather [hbm4b:s6+s2], $0x80, v4, vm0, $0xb8;
	[tilespmem:$0x10100] =	vst v63  }
0x29: {  	_ = 	snop  }
0x2a: {  	[tilespmem:s29], [sflag:$0x1] =	stream.indirect_vreg.gather [hbm4b:s3+s2], $0x80, v3, vm0, $0xb8;
	[tilespmem:$0x10100] =	vst v63  }
0x2b: {  	_ = 	snop  }
0x2c: {  	[tilespmem:s30], [sflag:$0x1] =	stream.indirect_vreg.gather [hbm4b:s4+s2], $0x80, v3, vm0, $0xb8;
	[tilespmem:$0x10100] =	vst v63  }
0x2d: {  	_ = 	snop  }
0x2e: {  	[tilespmem:s31], [sflag:$0x1] =	stream.indirect_vreg.gather [hbm4b:s5+s2], $0x80, v3, vm0, $0xb8;
	[tilespmem:$0x10100] =	vst v63  }
0x2f: {  	s0 =	simm.s32 $0x3900  }
0x30: {  	[tilespmem:s0], [sflag:$0x1] =	stream.indirect_vreg.gather [hbm4b:s6+s2], $0x80, v3, vm0, $0xb8;
	[tilespmem:$0x10100] =	vst v63  }
0x31: {  	v3 =	vld [tilespmem:$0x10];
	_ =	sdelay $0x4  }
0x32: {  	v57 =	vshll.u32 v3, $0x3  }
0x33: {  	v3 =	vand.u32 $0x7, v3;
	v4 =	vand.u32 $0xFFFFFFC0, v57  }
0x34: {  	v3 =	vor.u32 v3, v4  }
0x35: {  	v4 =	vperm.xlane v3, v0;
	_ =	sdelay $0x1  }
0x36: {  	v4 =	vadd.s32 v1, v4;
	_ =	sdelay $0x4  }
0x37: {  	[tilespmem:s1], [sflag:$0x1] =	stream.indirect_vreg.gather [hbm4b:s3+s2], $0x80, v4, vm0, $0xb8;
	[tilespmem:$0x10100] =	vst v63  }
0x38: {  	v3 =	vperm.xlane v3, v2  }
0x39: {  	[tilespmem:s10], [sflag:$0x1] =	stream.indirect_vreg.gather [hbm4b:s4+s2], $0x80, v4, vm0, $0xb8;
	[tilespmem:$0x10100] =	vst v63  }
0x3a: {  	v3 =	vadd.s32 v1, v3  }
0x3b: {  	[tilespmem:s11], [sflag:$0x1] =	stream.indirect_vreg.gather [hbm4b:s5+s2], $0x80, v4, vm0, $0xb8;
	[tilespmem:$0x10100] =	vst v63  }
0x3c: {  	_ = 	snop  }
0x3d: {  	[tilespmem:s12], [sflag:$0x1] =	stream.indirect_vreg.gather [hbm4b:s6+s2], $0x80, v4, vm0, $0xb8;
	[tilespmem:$0x10100] =	vst v63  }
0x3e: {  	_ = 	snop  }
0x3f: {  	[tilespmem:s13], [sflag:$0x1] =	stream.indirect_vreg.gather [hbm4b:s3+s2], $0x80, v3, vm0, $0xb8;
	[tilespmem:$0x10100] =	vst v63  }
0x40: {  	_ = 	snop  }
0x41: {  	[tilespmem:s14], [sflag:$0x1] =	stream.indirect_vreg.gather [hbm4b:s4+s2], $0x80, v3, vm0, $0xb8;
	[tilespmem:$0x10100] =	vst v63  }
0x42: {  	_ = 	snop  }
0x43: {  	[tilespmem:s15], [sflag:$0x1] =	stream.indirect_vreg.gather [hbm4b:s5+s2], $0x80, v3, vm0, $0xb8;
	[tilespmem:$0x10100] =	vst v63  }
0x44: {  	_ = 	snop  }
0x45: {  	[tilespmem:s16], [sflag:$0x1] =	stream.indirect_vreg.gather [hbm4b:s6+s2], $0x80, v3, vm0, $0xb8;
	[tilespmem:$0x10100] =	vst v63  }
0x46: {  	s23 =	rddreg [dreg:$0x3]  }
0x47: {  	[tilespmem:s17], [sflag:$0x5] =	stream.linear.gather [hbm4b:s23+s2], $0x20, $0x38;
	[tilespmem:$0x10100] =	vst v63  }
0x48: {  	_ =	swait.ge [sflag:s8], $0x20  }
0x49: {  	[sflag:s8] =	ssyncset.done $0x0  }
0x4a: {  	[sflag:s8] =	ssyncadd.s32 $0xFFFFFFE0  }
0x4b: {  	v3 =	vld [tilespmem:$0x80];
	_ =	sdelay $0x4  }
0x4c: {  	v58 =	vshll.u32 v3, $0x3  }
0x4d: {  	v3 =	vand.u32 $0x7, v3;
	v4 =	vand.u32 $0xFFFFFFC0, v58  }
0x4e: {  	v3 =	vor.u32 v3, v4  }
0x4f: {  	v4 =	vperm.xlane v3, v0;
	_ =	sdelay $0x1  }
0x50: {  	v4 =	vadd.s32 v1, v4;
	_ =	sdelay $0x4  }
0x51: {  	[tilespmem:s19], [sflag:$0x2] =	stream.indirect_vreg.gather [hbm4b:s3+s2], $0x80, v4, vm0, $0xb8;
	[tilespmem:$0x10100] =	vst v63  }
0x52: {  	v3 =	vperm.xlane v3, v2  }
0x53: {  	[tilespmem:s18], [sflag:$0x2] =	stream.indirect_vreg.gather [hbm4b:s4+s2], $0x80, v4, vm0, $0xb8;
	[tilespmem:$0x10100] =	vst v63  }
0x54: {  	s23 =	simm.s32 $0x9100;
	v3 =	vadd.s32 v1, v3  }
0x55: {  	[tilespmem:s23], [sflag:$0x2] =	stream.indirect_vreg.gather [hbm4b:s5+s2], $0x80, v4, vm0, $0xb8;
	[tilespmem:$0x10100] =	vst v63  }
0x56: {  	s23 =	simm.s32 $0x9900  }
0x57: {  	[tilespmem:s23], [sflag:$0x2] =	stream.indirect_vreg.gather [hbm4b:s6+s2], $0x80, v4, vm0, $0xb8;
	[tilespmem:$0x10100] =	vst v63  }
0x58: {  	s23 =	simm.s32 $0xA100  }
0x59: {  	[tilespmem:s23], [sflag:$0x2] =	stream.indirect_vreg.gather [hbm4b:s3+s2], $0x80, v3, vm0, $0xb8;
	[tilespmem:$0x10100] =	vst v63  }
0x5a: {  	s23 =	simm.s32 $0xA900  }
0x5b: {  	[tilespmem:s23], [sflag:$0x2] =	stream.indirect_vreg.gather [hbm4b:s4+s2], $0x80, v3, vm0, $0xb8;
	[tilespmem:$0x10100] =	vst v63  }
0x5c: {  	s23 =	simm.s32 $0xB100  }
0x5d: {  	[tilespmem:s23], [sflag:$0x2] =	stream.indirect_vreg.gather [hbm4b:s5+s2], $0x80, v3, vm0, $0xb8;
	[tilespmem:$0x10100] =	vst v63  }
0x5e: {  	s23 =	simm.s32 $0xB900  }
0x5f: {  	[tilespmem:s23], [sflag:$0x2] =	stream.indirect_vreg.gather [hbm4b:s6+s2], $0x80, v3, vm0, $0xb8;
	[tilespmem:$0x10100] =	vst v63  }
0x60: {  	v3 =	vld [tilespmem:$0x90];
	_ =	sdelay $0x4  }
0x61: {  	v59 =	vshll.u32 v3, $0x3  }
0x62: {  	v3 =	vand.u32 $0x7, v3;
	v4 =	vand.u32 $0xFFFFFFC0, v59  }
0x63: {  	v3 =	vor.u32 v3, v4  }
0x64: {  	v4 =	vperm.xlane v3, v0;
	_ =	sdelay $0x1  }
0x65: {  	v4 =	vadd.s32 v1, v4;
	_ =	sdelay $0x3  }
0x66: {  	s23 =	simm.s32 $0xC100  }
0x67: {  	[tilespmem:s23], [sflag:$0x2] =	stream.indirect_vreg.gather [hbm4b:s3+s2], $0x80, v4, vm0, $0xb8;
	[tilespmem:$0x10100] =	vst v63  }
0x68: {  	v3 =	vperm.xlane v3, v2;
	s23 =	simm.s32 $0xC900  }
0x69: {  	[tilespmem:s23], [sflag:$0x2] =	stream.indirect_vreg.gather [hbm4b:s4+s2], $0x80, v4, vm0, $0xb8;
	[tilespmem:$0x10100] =	vst v63  }
0x6a: {  	v3 =	vadd.s32 v1, v3;
	s23 =	simm.s32 $0xD100  }
0x6b: {  	[tilespmem:s23], [sflag:$0x2] =	stream.indirect_vreg.gather [hbm4b:s5+s2], $0x80, v4, vm0, $0xb8;
	[tilespmem:$0x10100] =	vst v63  }
0x6c: {  	s23 =	simm.s32 $0xD900  }
0x6d: {  	[tilespmem:s23], [sflag:$0x2] =	stream.indirect_vreg.gather [hbm4b:s6+s2], $0x80, v4, vm0, $0xb8;
	[tilespmem:$0x10100] =	vst v63  }
0x6e: {  	s23 =	simm.s32 $0xE100  }
0x6f: {  	[tilespmem:s23], [sflag:$0x2] =	stream.indirect_vreg.gather [hbm4b:s3+s2], $0x80, v3, vm0, $0xb8;
	[tilespmem:$0x10100] =	vst v63  }
0x70: {  	s23 =	simm.s32 $0xE900  }
0x71: {  	[tilespmem:s23], [sflag:$0x2] =	stream.indirect_vreg.gather [hbm4b:s4+s2], $0x80, v3, vm0, $0xb8;
	[tilespmem:$0x10100] =	vst v63  }
0x72: {  	s23 =	simm.s32 $0xF100  }
0x73: {  	[tilespmem:s23], [sflag:$0x2] =	stream.indirect_vreg.gather [hbm4b:s5+s2], $0x80, v3, vm0, $0xb8;
	[tilespmem:$0x10100] =	vst v63  }
0x74: {  	s23 =	simm.s32 $0xF900  }
0x75: {  	[tilespmem:s23], [sflag:$0x2] =	stream.indirect_vreg.gather [hbm4b:s6+s2], $0x80, v3, vm0, $0xb8;
	[tilespmem:$0x10100] =	vst v63  }
0x76: {  	_ =	swait.ge [sflag:s9], $0x8000  }
0x77: {  	[sflag:s9] =	ssyncset.done $0x0  }
0x78: {  	s23 =	rddreg [dreg:$0x4];
	[sflag:s9] =	ssyncadd.s32 $0xFFFF8000  }
0x79: {  	[hbm4b:s23+s2] =	stream.linear.scatter [tilespmem:s26], [sflag:$0x3], $0x8000, $0x38;
	[tilespmem:$0x10100] =	vst v63  }
0x7a: {  	_ =	swait.ge [sflag:s20], $0x8000  }
0x7b: {  	[sflag:s20] =	ssyncset.done $0x0  }
0x7c: {  	s23 =	rddreg [dreg:$0x5];
	[sflag:s20] =	ssyncadd.s32 $0xFFFF8000  }
0x7d: {  	[tilespmem:s2], [sflag:$0x5] =	stream.linear.gather [hbm4b:s23+s2], $0x20, $0x38;
	[tilespmem:$0x10100] =	vst v63  }
0x7e: {  	_ =	swait.ge [sflag:s8], $0x20  }
0x7f: {  	[sflag:s8] =	ssyncset.done $0x0  }
0x80: {  	[sflag:s8] =	ssyncadd.s32 $0xFFFFFFE0  }
0x81: {  	v3 =	vld [tilespmem:$0x0];
	_ =	sdelay $0x4  }
0x82: {  	v60 =	vshll.u32 v3, $0x3  }
0x83: {  	v3 =	vand.u32 $0x7, v3;
	v4 =	vand.u32 $0xFFFFFFC0, v60  }
0x84: {  	v3 =	vor.u32 v3, v4  }
0x85: {  	v4 =	vperm.xlane v3, v0;
	_ =	sdelay $0x1  }
0x86: {  	v4 =	vadd.s32 v1, v4;
	_ =	sdelay $0x4  }
0x87: {  	[tilespmem:s26], [sflag:$0x1] =	stream.indirect_vreg.gather [hbm4b:s3+s2], $0x80, v4, vm0, $0xb8;
	[tilespmem:$0x10100] =	vst v63  }
0x88: {  	v3 =	vperm.xlane v3, v2  }
0x89: {  	[tilespmem:s24], [sflag:$0x1] =	stream.indirect_vreg.gather [hbm4b:s4+s2], $0x80, v4, vm0, $0xb8;
	[tilespmem:$0x10100] =	vst v63  }
0x8a: {  	v3 =	vadd.s32 v1, v3  }
0x8b: {  	[tilespmem:s25], [sflag:$0x1] =	stream.indirect_vreg.gather [hbm4b:s5+s2], $0x80, v4, vm0, $0xb8;
	[tilespmem:$0x10100] =	vst v63  }
0x8c: {  	_ = 	snop  }
0x8d: {  	[tilespmem:s28], [sflag:$0x1] =	stream.indirect_vreg.gather [hbm4b:s6+s2], $0x80, v4, vm0, $0xb8;
	[tilespmem:$0x10100] =	vst v63  }
0x8e: {  	_ = 	snop  }
0x8f: {  	[tilespmem:s29], [sflag:$0x1] =	stream.indirect_vreg.gather [hbm4b:s3+s2], $0x80, v3, vm0, $0xb8;
	[tilespmem:$0x10100] =	vst v63  }
0x90: {  	_ = 	snop  }
0x91: {  	[tilespmem:s30], [sflag:$0x1] =	stream.indirect_vreg.gather [hbm4b:s4+s2], $0x80, v3, vm0, $0xb8;
	[tilespmem:$0x10100] =	vst v63  }
0x92: {  	_ = 	snop  }
0x93: {  	[tilespmem:s31], [sflag:$0x1] =	stream.indirect_vreg.gather [hbm4b:s5+s2], $0x80, v3, vm0, $0xb8;
	[tilespmem:$0x10100] =	vst v63  }
0x94: {  	_ = 	snop  }
0x95: {  	[tilespmem:s0], [sflag:$0x1] =	stream.indirect_vreg.gather [hbm4b:s6+s2], $0x80, v3, vm0, $0xb8;
	[tilespmem:$0x10100] =	vst v63  }
0x96: {  	v3 =	vld [tilespmem:$0x10];
	_ =	sdelay $0x4  }
0x97: {  	v61 =	vshll.u32 v3, $0x3  }
0x98: {  	v3 =	vand.u32 $0x7, v3;
	v4 =	vand.u32 $0xFFFFFFC0, v61  }
0x99: {  	v3 =	vor.u32 v3, v4  }
0x9a: {  	v4 =	vperm.xlane v3, v0;
	_ =	sdelay $0x1  }
0x9b: {  	v4 =	vadd.s32 v1, v4;
	_ =	sdelay $0x4  }
0x9c: {  	[tilespmem:s1], [sflag:$0x1] =	stream.indirect_vreg.gather [hbm4b:s3+s2], $0x80, v4, vm0, $0xb8;
	[tilespmem:$0x10100] =	vst v63  }
0x9d: {  	v3 =	vperm.xlane v3, v2  }
0x9e: {  	[tilespmem:s10], [sflag:$0x1] =	stream.indirect_vreg.gather [hbm4b:s4+s2], $0x80, v4, vm0, $0xb8;
	[tilespmem:$0x10100] =	vst v63  }
0x9f: {  	v3 =	vadd.s32 v1, v3  }
0xa0: {  	[tilespmem:s11], [sflag:$0x1] =	stream.indirect_vreg.gather [hbm4b:s5+s2], $0x80, v4, vm0, $0xb8;
	[tilespmem:$0x10100] =	vst v63  }
0xa1: {  	_ = 	snop  }
0xa2: {  	[tilespmem:s12], [sflag:$0x1] =	stream.indirect_vreg.gather [hbm4b:s6+s2], $0x80, v4, vm0, $0xb8;
	[tilespmem:$0x10100] =	vst v63  }
0xa3: {  	_ = 	snop  }
0xa4: {  	[tilespmem:s13], [sflag:$0x1] =	stream.indirect_vreg.gather [hbm4b:s3+s2], $0x80, v3, vm0, $0xb8;
	[tilespmem:$0x10100] =	vst v63  }
0xa5: {  	_ = 	snop  }
0xa6: {  	[tilespmem:s14], [sflag:$0x1] =	stream.indirect_vreg.gather [hbm4b:s4+s2], $0x80, v3, vm0, $0xb8;
	[tilespmem:$0x10100] =	vst v63  }
0xa7: {  	_ = 	snop  }
0xa8: {  	[tilespmem:s15], [sflag:$0x1] =	stream.indirect_vreg.gather [hbm4b:s5+s2], $0x80, v3, vm0, $0xb8;
	[tilespmem:$0x10100] =	vst v63  }
0xa9: {  	_ = 	snop  }
0xaa: {  	[tilespmem:s16], [sflag:$0x1] =	stream.indirect_vreg.gather [hbm4b:s6+s2], $0x80, v3, vm0, $0xb8;
	[tilespmem:$0x10100] =	vst v63  }
0xab: {  	_ =	swait.ge [sflag:s21], $0x8000  }
0xac: {  	[sflag:s21] =	ssyncset.done $0x0  }
0xad: {  	s0 =	rddreg [dreg:$0x6];
	[sflag:s21] =	ssyncadd.s32 $0xFFFF8000  }
0xae: {  	[hbm4b:s0+s2] =	stream.linear.scatter [tilespmem:s19], [sflag:$0x4], $0x8000, $0x38;
	[tilespmem:$0x10100] =	vst v63  }
0xaf: {  	_ =	swait.ge [sflag:s22], $0x8000  }
0xb0: {  	[sflag:s22] =	ssyncset.done $0x0  }
0xb1: {  	s0 =	rddreg [dreg:$0x7];
	[sflag:s22] =	ssyncadd.s32 $0xFFFF8000  }
0xb2: {  	[tilespmem:s17], [sflag:$0x5] =	stream.linear.gather [hbm4b:s0+s2], $0x20, $0x38;
	[tilespmem:$0x10100] =	vst v63  }
0xb3: {  	_ =	swait.ge [sflag:s8], $0x20  }
0xb4: {  	[sflag:s8] =	ssyncset.done $0x0  }
0xb5: {  	[sflag:s8] =	ssyncadd.s32 $0xFFFFFFE0  }
0xb6: {  	v3 =	vld [tilespmem:$0x80];
	_ =	sdelay $0x4  }
0xb7: {  	v62 =	vshll.u32 v3, $0x3  }
0xb8: {  	v3 =	vand.u32 $0x7, v3;
	v4 =	vand.u32 $0xFFFFFFC0, v62  }
0xb9: {  	v3 =	vor.u32 v3, v4  }
0xba: {  	v4 =	vperm.xlane v3, v0;
	_ =	sdelay $0x1  }
0xbb: {  	v4 =	vadd.s32 v1, v4;
	_ =	sdelay $0x4  }
0xbc: {  	[tilespmem:s19], [sflag:$0x2] =	stream.indirect_vreg.gather [hbm4b:s3+s2], $0x80, v4, vm0, $0xb8;
	[tilespmem:$0x10100] =	vst v63  }
0xbd: {  	v3 =	vperm.xlane v3, v2  }
0xbe: {  	[tilespmem:s18], [sflag:$0x2] =	stream.indirect_vreg.gather [hbm4b:s4+s2], $0x80, v4, vm0, $0xb8;
	[tilespmem:$0x10100] =	vst v63  }
0xbf: {  	s23 =	simm.s32 $0x9100;
	v3 =	vadd.s32 v1, v3  }
0xc0: {  	[tilespmem:s23], [sflag:$0x2] =	stream.indirect_vreg.gather [hbm4b:s5+s2], $0x80, v4, vm0, $0xb8;
	[tilespmem:$0x10100] =	vst v63  }
0xc1: {  	s23 =	simm.s32 $0x9900  }
0xc2: {  	[tilespmem:s23], [sflag:$0x2] =	stream.indirect_vreg.gather [hbm4b:s6+s2], $0x80, v4, vm0, $0xb8;
	[tilespmem:$0x10100] =	vst v63  }
0xc3: {  	s23 =	simm.s32 $0xA100  }
0xc4: {  	[tilespmem:s23], [sflag:$0x2] =	stream.indirect_vreg.gather [hbm4b:s3+s2], $0x80, v3, vm0, $0xb8;
	[tilespmem:$0x10100] =	vst v63  }
0xc5: {  	s23 =	simm.s32 $0xA900  }
0xc6: {  	[tilespmem:s23], [sflag:$0x2] =	stream.indirect_vreg.gather [hbm4b:s4+s2], $0x80, v3, vm0, $0xb8;
	[tilespmem:$0x10100] =	vst v63  }
0xc7: {  	s23 =	simm.s32 $0xB100  }
0xc8: {  	[tilespmem:s23], [sflag:$0x2] =	stream.indirect_vreg.gather [hbm4b:s5+s2], $0x80, v3, vm0, $0xb8;
	[tilespmem:$0x10100] =	vst v63  }
0xc9: {  	s23 =	simm.s32 $0xB900  }
0xca: {  	[tilespmem:s23], [sflag:$0x2] =	stream.indirect_vreg.gather [hbm4b:s6+s2], $0x80, v3, vm0, $0xb8;
	[tilespmem:$0x10100] =	vst v63  }
0xcb: {  	v3 =	vld [tilespmem:$0x90];
	_ =	sdelay $0x4  }
0xcc: {  	v63 =	vshll.u32 v3, $0x3  }
0xcd: {  	v3 =	vand.u32 $0x7, v3;
	v4 =	vand.u32 $0xFFFFFFC0, v63  }
0xce: {  	v3 =	vor.u32 v3, v4  }
0xcf: {  	v4 =	vperm.xlane v3, v0;
	_ =	sdelay $0x1  }
0xd0: {  	v4 =	vadd.s32 v1, v4;
	_ =	sdelay $0x3  }
0xd1: {  	s23 =	simm.s32 $0xC100  }
0xd2: {  	[tilespmem:s23], [sflag:$0x2] =	stream.indirect_vreg.gather [hbm4b:s3+s2], $0x80, v4, vm0, $0xb8;
	[tilespmem:$0x10100] =	vst v63  }
0xd3: {  	v3 =	vperm.xlane v3, v2;
	s23 =	simm.s32 $0xC900  }
0xd4: {  	[tilespmem:s23], [sflag:$0x2] =	stream.indirect_vreg.gather [hbm4b:s4+s2], $0x80, v4, vm0, $0xb8;
	[tilespmem:$0x10100] =	vst v63  }
0xd5: {  	v3 =	vadd.s32 v1, v3;
	s23 =	simm.s32 $0xD100  }
0xd6: {  	[tilespmem:s23], [sflag:$0x2] =	stream.indirect_vreg.gather [hbm4b:s5+s2], $0x80, v4, vm0, $0xb8;
	[tilespmem:$0x10100] =	vst v63  }
0xd7: {  	s23 =	simm.s32 $0xD900  }
0xd8: {  	[tilespmem:s23], [sflag:$0x2] =	stream.indirect_vreg.gather [hbm4b:s6+s2], $0x80, v4, vm0, $0xb8;
	[tilespmem:$0x10100] =	vst v63  }
0xd9: {  	s23 =	simm.s32 $0xE100  }
0xda: {  	[tilespmem:s23], [sflag:$0x2] =	stream.indirect_vreg.gather [hbm4b:s3+s2], $0x80, v3, vm0, $0xb8;
	[tilespmem:$0x10100] =	vst v63  }
0xdb: {  	s23 =	simm.s32 $0xE900  }
0xdc: {  	[tilespmem:s23], [sflag:$0x2] =	stream.indirect_vreg.gather [hbm4b:s4+s2], $0x80, v3, vm0, $0xb8;
	[tilespmem:$0x10100] =	vst v63  }
0xdd: {  	s23 =	simm.s32 $0xF100  }
0xde: {  	[tilespmem:s23], [sflag:$0x2] =	stream.indirect_vreg.gather [hbm4b:s5+s2], $0x80, v3, vm0, $0xb8;
	[tilespmem:$0x10100] =	vst v63  }
0xdf: {  	s23 =	simm.s32 $0xF900  }
0xe0: {  	[tilespmem:s23], [sflag:$0x2] =	stream.indirect_vreg.gather [hbm4b:s6+s2], $0x80, v3, vm0, $0xb8;
	[tilespmem:$0x10100] =	vst v63  }
0xe1: {  	_ =	swait.ge [sflag:s9], $0x8000  }
0xe2: {  	[sflag:s9] =	ssyncset.done $0x0  }
0xe3: {  	s0 =	rddreg [dreg:$0x8];
	[sflag:s9] =	ssyncadd.s32 $0xFFFF8000  }
0xe4: {  	[hbm4b:s0+s2] =	stream.linear.scatter [tilespmem:s26], [sflag:$0x3], $0x8000, $0x38;
	[tilespmem:$0x10100] =	vst v63  }
0xe5: {  	_ =	swait.ge [sflag:s21], $0x8000  }
0xe6: {  	[sflag:s21] =	ssyncset.done $0x0  }
0xe7: {  	s0 =	rddreg [dreg:$0x9];
	[sflag:s21] =	ssyncadd.s32 $0xFFFF8000  }
0xe8: {  	[hbm4b:s0+s2] =	stream.linear.scatter [tilespmem:s19], [sflag:$0x4], $0x8000, $0x38;
	[tilespmem:$0x10100] =	vst v63  }
0xe9: {  	p0 =	sne.s32 s7, $0x1;
	_ =	swait.ge [sflag:s20], $0x8000  }
.Ltmp0:
0xea: {  	[sflag:s20] =	ssyncset.done $0x0;
	(pc) =	sbr.rel @p0 .LBB2_1-.Ltmp0, $4  }
0xeb: {  	[sflag:s20] =	ssyncadd.s32 $0xFFFF8000  }
0xec: {  	_ =	swait.ge [sflag:s22], $0x8000  }
0xed: {  	[sflag:s22] =	ssyncset.done $0x0  }
0xee: {  	s7 =	sadd.s32 $0xFFFFFFFF, s7;
	[sflag:s22] =	ssyncadd.s32 $0xFFFF8000  }
0xef: {  	_ =	sfence.sel $0x180000  }
0xf0: {  	[bflag:$0x0] =	sbarrier.arrive $0xFFFF  }
0xf1: {  	_ =	strace $0x9000004A  }
0xf2: {  	s0 =	stileid.u32;
	[bflag:$0x2] =	sbarrier.arrive $0xFFFF  }
0xf3: {  	p0 =	sne.s32 s0, $0x0;
	s0 =	rddreg [dreg:$0x1]  }
0xf4: {  	s0 =	sadd.s32 @!p0 $0x100000, s0  }
0xf5: {  	[sflag:s0] =	ssyncadd.tile.s32 @!p0 $0x1;
	_ =	shalt  }
.Lfunc_end2:
_tile_overlayer_lowered:
.L_overlay_start_2:
0xf6: {  	(tag) =	ssettag $0x2  }
0xf7: {  	s0 =	rddreg [dreg:$0x0];
	s2 =	stileid.u32  }
0xf8: {  	s1 =	rddreg [dreg:$0x1];
	p0 =	sne.s32 s2, $0x0  }
0xf9: {  	s3 =	rddreg [dreg:$0x2];
	[bflag:$0x3] =	sbarrier.arrive $0xFFFF;
	s2 =	simm.s32 @!p0 $0x1C05  }
0xfa: {  	[timem:s3], [sflag:s2] =	dma.local @!p0 [hbm:s0], s1  }
0xfb: {  	s0 =	simm.s32 @!p0 $0x5  }
0xfc: {  	_ =	swait.ge @!p0 [sflag:s0], s1  }
0xfd: {  	s1 =	ssub.s32 @!p0 $0x0, s1;
	[sflag:s0] =	ssyncset.done @!p0 $0x0  }
0xfe: {  	[sflag:s0] =	ssyncadd.s32 @!p0 s1  }
0xff: {  	[bflag:$0x3] =	sbarrier.arrive $0xFFFF  }
0x100: {  	_ =	shalt  }

// kernel: kernel.7.cloned.1.call-start
scs
__scs_entry_jumppad:
0x0: {  	(pc) =	sbr.rel $0x88, $3  }
0x1: {  	(tag) =	ssettag $0x0;
	lr =	simm.s32 $0x1  }
0x2: {  	[smem:$0x3F99] =	sst lr;
	_ =	strace $0xD0000000  }
0x3: {  	_ = 	snop  }
0x4: {  	_ = 	snop  }
0x5: {  	_ = 	snop  }
0x6: {  	_ = 	snop  }
0x7: {  	_ = 	snop  }
__scs_overlays_trampoline_lowered:
0x8: {  	[smem:$0x3FA8] =	sst s0  }
0x9: {  	[smem:$0x3FA9] =	sst s1  }
0xa: {  	[smem:$0x3FAA] =	sst s2  }
0xb: {  	[smem:$0x3FAB] =	sst s3  }
0xc: {  	[smem:$0x3FAC] =	sst s4  }
0xd: {  	[smem:$0x3FAD] =	sst s5  }
0xe: {  	[smem:$0x3FAE] =	sst s6  }
0xf: {  	[smem:$0x3FAF] =	sst s7  }
0x10: {  	[smem:$0x3FB0] =	sst s8  }
0x11: {  	[smem:$0x3FB1] =	sst s9;
	s0 =	simm.s32 @!p0 $0x0  }
0x12: {  	s1 =	sld [smem:$0x3F97];
	s0 =	simm.s32 @p0 $0x1  }
0x13: {  	[smem:$0x3FB2] =	sst s0;
	s0 =	simm.s32 @!p1 $0x0  }
0x14: {  	s2 =	sld [smem:$0x3F96];
	s0 =	simm.s32 @p1 $0x1  }
0x15: {  	[smem:$0x3FB3] =	sst s0;
	s0 =	simm.s32 @!p2 $0x0  }
0x16: {  	s3 =	sld [smem:$0x3FDB];
	s0 =	simm.s32 @p2 $0x1  }
0x17: {  	s4 =	simm.s32 $0x1BF5;
	[smem:$0x3FB5] =	sst s0  }
0x18: {  	s0 =	sld [smem:$0x3F98];
	_ =	swait.ge [sflag:s4], $0x0  }
0x19: {  	s7 =	sld [smem:$0x3F99]  }
0x1a: {  	s8 =	sadd.s32 $0xFFFFE003, lr  }
0x1b: {  	s9 =	sadd.s32 $0xFFFFFEF7, lr;
	s5 =	simm.s32 $0xFFFFFFFF;
	p2 =	slt.u32 s8, $0xFFFFF086  }
0x1c: {  	p1 =	slt.u32 s9, $0xF7A;
	s5 =	simm.s32 @!p2 $0x0  }
0x1d: {  	s5 =	simm.s32 @p1 $0x1;
	p0 =	seq.s32 s7, s2  }
0x1e: {  	s7 =	smul.u32 @!p0 $0xF7A, s2;
	p2 =	seq.s32 @!p0 s5, $0x0  }
0x1f: {  	s9 =	smul.u32 $0xF7A, s1;
	s8 =	simm.s32 @!p0 $0x1BF5;
	p2 =	por !p2, p0  }
0x20: {  	[sflag:s8] =	ssyncset.s32 @!p0 $0xFFFFF086;
	s6 =	sadd.s32 @!p0 s3, s7;
	s7 =	simm.s32 @!p0 $0x108  }
0x21: {  	s3 =	sadd.s32 s3, s9;
	s6 =	sadd.s32 @!p0 $0x88, s6;
	s7 =	simm.s32 @p2 $0x1082  }
0x22: {  	[simem:s7], [sflag:s8] =	dma.local @!p0 [hbm:s6], $0xF7A  }
0x23: {  	s9 =	sor.u32 $0xD0000000, s2;
	s6 =	simm.s32 $0x108;
	_ =	swait.ge @!p0 [sflag:s8], $0x0  }
0x24: {  	s3 =	sadd.s32 $0x88, s3;
	s6 =	simm.s32 @!p1 $0x1082;
	[sflag:s4] =	ssyncset.s32 $0xFFFFF086  }
0x25: {  	[simem:s6], [sflag:s4] =	dma.local [hbm:s3], $0xF7A  }
0x26: {  	[smem:$0x3F99] =	sst s1;
	(tag) =	ssettag s2;
	_ =	strace s9  }
0x27: {  	s1 =	sld [smem:$0x3FA9]  }
0x28: {  	s2 =	sld [smem:$0x3FAA]  }
0x29: {  	s4 =	sld [smem:$0x3FAC]  }
0x2a: {  	p0 =	seq.s32 s5, $0x0;
	s5 =	sld [smem:$0x3FAD]  }
0x2b: {  	s6 =	sld [smem:$0x3FAE]  }
0x2c: {  	s7 =	sld [smem:$0x3FAF]  }
0x2d: {  	s3 =	simm.s32 $0x108;
	s8 =	sld [smem:$0x3FB0]  }
0x2e: {  	s3 =	simm.s32 @!p0 $0x1082;
	s9 =	sld [smem:$0x3FB1]  }
0x2f: {  	lr =	sadd.s32 s0, s3;
	s0 =	sld [smem:$0x3FA8]  }
0x30: {  	s3 =	sld [smem:$0x3FAB]  }
0x31: {  	[smem:$0x3FB4] =	sst s10  }
0x32: {  	s10 =	sld [smem:$0x3FB2];
	_ =	sdelay $0x3  }
0x33: {  	p0 =	seq.s32 s10, $0x1;
	s10 =	sld [smem:$0x3FB4];
	_ =	sdelay $0x3  }
0x34: {  	[smem:$0x3FB4] =	sst s10  }
0x35: {  	s10 =	sld [smem:$0x3FB3];
	_ =	sdelay $0x3  }
0x36: {  	p1 =	seq.s32 s10, $0x1;
	s10 =	sld [smem:$0x3FB4];
	_ =	sdelay $0x3  }
0x37: {  	[smem:$0x3FB4] =	sst s10  }
0x38: {  	s10 =	sld [smem:$0x3FB5]  }
0x39: {  	_ = 	snop;
	(pc) =	sbr.ind lr, $3  }
0x3a: {  	_ = 	snop  }
0x3b: {  	_ = 	snop  }
0x3c: {  	p2 =	seq.s32 s10, $0x1;
	s10 =	sld [smem:$0x3FB4]  }
0x3d: {  	_ =	shalt  }
0x3e: {  	_ =	shalt  }
0x3f: {  	_ =	shalt  }
0x40: {  	_ =	shalt  }
0x41: {  	_ =	shalt  }
0x42: {  	_ =	shalt  }
0x43: {  	_ =	shalt  }
0x44: {  	_ =	shalt  }
0x45: {  	_ =	shalt  }
0x46: {  	_ =	shalt  }
0x47: {  	_ =	shalt  }
0x48: {  	_ =	shalt  }
0x49: {  	_ =	shalt  }
0x4a: {  	_ =	shalt  }
0x4b: {  	_ =	shalt  }
0x4c: {  	_ =	shalt  }
0x4d: {  	_ =	shalt  }
0x4e: {  	_ =	shalt  }
0x4f: {  	_ =	shalt  }
0x50: {  	_ =	shalt  }
0x51: {  	_ =	shalt  }
0x52: {  	_ =	shalt  }
0x53: {  	_ =	shalt  }
0x54: {  	_ =	shalt  }
0x55: {  	_ =	shalt  }
0x56: {  	_ =	shalt  }
0x57: {  	_ =	shalt  }
0x58: {  	_ =	shalt  }
0x59: {  	_ =	shalt  }
0x5a: {  	_ =	shalt  }
0x5b: {  	_ =	shalt  }
0x5c: {  	_ =	shalt  }
0x5d: {  	_ =	shalt  }
0x5e: {  	_ =	shalt  }
0x5f: {  	_ =	shalt  }
0x60: {  	_ =	shalt  }
0x61: {  	_ =	shalt  }
0x62: {  	_ =	shalt  }
0x63: {  	_ =	shalt  }
0x64: {  	_ =	shalt  }
0x65: {  	_ =	shalt  }
0x66: {  	_ =	shalt  }
0x67: {  	_ =	shalt  }
0x68: {  	_ =	shalt  }
0x69: {  	_ =	shalt  }
0x6a: {  	_ =	shalt  }
0x6b: {  	_ =	shalt  }
0x6c: {  	_ =	shalt  }
0x6d: {  	_ =	shalt  }
0x6e: {  	_ =	shalt  }
0x6f: {  	_ =	shalt  }
0x70: {  	_ =	shalt  }
0x71: {  	_ =	shalt  }
0x72: {  	_ =	shalt  }
0x73: {  	_ =	shalt  }
0x74: {  	_ =	shalt  }
0x75: {  	_ =	shalt  }
0x76: {  	_ =	shalt  }
0x77: {  	_ =	shalt  }
0x78: {  	_ =	shalt  }
0x79: {  	_ =	shalt  }
0x7a: {  	_ =	shalt  }
0x7b: {  	_ =	shalt  }
0x7c: {  	_ =	shalt  }
0x7d: {  	_ =	shalt  }
0x7e: {  	_ =	shalt  }
0x7f: {  	_ =	shalt  }
0x80: {  	_ =	shalt  }
0x81: {  	_ =	shalt  }
0x82: {  	_ =	shalt  }
0x83: {  	_ =	shalt  }
0x84: {  	_ =	shalt  }
0x85: {  	_ =	shalt  }
0x86: {  	_ =	shalt  }
0x87: {  	_ =	shalt  }
.Lfunc_end0:
.L_simem_size_0:
called_computation_lowered:
.L_overlay_start_0:
0x88: {  	s2 =	sld [smem:$0x3FD9]  }
0x89: {  	s3 =	sld [smem:$0x3FFE];
	_ =	sdelay $0x1  }
0x8a: {  	s1 =	srdreg.scid  }
0x8b: {  	s0 =	sand.u32 $0x1, s1  }
0x8c: {  	s17 =	sshll.u32 s0, $0xA;
	s2 =	sadd.s32 s3, s2  }
0x8d: {  	s2 =	sadd.s32 s2, s17  }
0x8e: {  	[smem:$0x3FC0] =	sst s2  }
0x8f: {  	_ = 	snop  }
0x90: {  	s2 =	sld [smem:$0x3FD0];
	(tm) =	ssettm $0x1  }
0x91: {  	s18 =	sld [smem:$0x3FFB];
	_ =	sdelay $0x3  }
0x92: {  	_ =	strace s18  }
0x93: {  	s3 =	sld [smem:$0x3FFC];
	_ =	sdelay $0x3  }
0x94: {  	_ =	strace s3  }
0x95: {  	s3 =	sld [smem:$0x3FFD];
	_ =	sdelay $0x3  }
0x96: {  	_ =	strace s3  }
0x97: {  	_ =	strace $0x8FFFFFFF  }
0x98: {  	s19 =	sld [smem:$0x3FDB];
	_ =	sdelay $0x1  }
0x99: {  	s4 =	simm.s32 $_scs_section_size  }
0x9a: {  	s5 =	simm.s32 $_size__tile_overlayer_lowered;
	s6 =	simm.s32 $_tile_overlayer_lowered  }
0x9b: {  	s22 =	simm.s32 $0x1BFF;
	s21 =	sshll.u32 s6, $0x1;
	s3 =	sadd.s32 s4, s19  }
0x9c: {  	s7 =	simm.s32 $0x0;
	s20 =	sshll.u32 s5, $0x1;
	s5 =	sadd.s32 s21, s3  }
0x9d: {  	[timem:s7], [sflag:s22] =	dma.local [hbm:s5], s20  }
0x9e: {  	_ =	swait.ge [sflag:s22], s20  }
0x9f: {  	s4 =	ssub.s32 $0x0, s20;
	[sflag:s22] =	ssyncset.done $0x0  }
0xa0: {  	[sflag:s22] =	ssyncadd.s32 s4;
	_ =	sdelay $0x1  }
0xa1: {  	s23 =	simm.s32 $0x1B8B  }
0xa2: {  	_ =	swait.ge [sflag:s23], $0x1  }
0xa3: {  	[sflag:s23] =	ssyncset.done $0x0  }
0xa4: {  	s25 =	simm.s32 $0x1B8E;
	s24 =	sld [smem:$0x3FFE];
	[sflag:s23] =	ssyncadd.s32 $0xFFFFFFFF  }
0xa5: {  	s26 =	simm.s32 $execute0_lowered;
	[smem:$0x3FD2] =	sst s25  }
0xa6: {  	s5 =	sshll.u32 s26, $0x1;
	_ =	strace $0x80000046;
	[dreg:$0x1] =	wrdreg $0xFFFFFFFF  }
0xa7: {  	s28 =	simm.s32 $_size_execute0_lowered;
	s3 =	sadd.s32 s3, s5;
	[dreg:$0x0] =	wrdreg $0x0  }
0xa8: {  	s5 =	sshll.u32 s28, $0x1;
	[dreg:$0x2] =	wrdreg s3  }
0xa9: {  	[dreg:$0x3] =	wrdreg s5  }
0xaa: {  	[dreg:$0x4] =	wrdreg $0xC0  }
0xab: {  	_ =	task [dreg:s7], $0x5FFFF  }
0xac: {  	[dreg:$0x1] =	wrdreg $0xFFFFFFFF  }
0xad: {  	[dreg:$0x0] =	wrdreg $0x60  }
0xae: {  	[dreg:$0x2] =	wrdreg s24  }
0xaf: {  	[dreg:$0x3] =	wrdreg s2  }
0xb0: {  	[dreg:$0x4] =	wrdreg $0x9  }
0xb1: {  	_ =	task.clear_ibuf [dreg:s7], $0x5FFFF;
	_ =	strace $0x90000046  }
0xb2: {  	s29 =	simm.s32 $0x9;
	_ =	strace $0x80000048  }
0xb3: {  	_ =	swait.ge [sflag:s29], $0x1  }
0xb4: {  	[sflag:s29] =	ssyncadd.s32 $0xFFFFFFFF  }
0xb5: {  	_ =	strace $0x90000048  }
0xb6: {  	_ =	sfence  }
0xb7: {  	s30 =	sld [smem:$0x0];
	_ =	sdelay $0x2  }
0xb8: {  	s31 =	sshll.u32 s1, $0xD;
	s1 =	sshrl.u32 s1, $0x2  }
0xb9: {  	s3 =	sand.u32 $0x4000, s31;
	s1 =	sadd.s32 s1, s30  }
0xba: {  	s0 =	sor.u32 s3, s0;
	s1 =	sshll.u32 s1, $0x11  }
0xbb: {  	s0 =	sor.u32 s1, s0  }
0xbc: {  	s0 =	sadd.s32 $0x8F2B, s0  }
0xbd: {  	[sflag:s0] =	ssyncadd.remote.s32 $0x1  }
0xbe: {  	_ =	sfence.sel $0xFFFF  }
0xbf: {  	[dreg:$0x0] =	wrdreg $0xFFFFFFFF;
	(pc) =	sbr.abs _section_cstart, $3  }
0xc0: {  	[dreg:$0x1] =	wrdreg $0xFFFFFFFF  }
0xc1: {  	_ =	task.clear_ibuf [dreg:s7], $0x2FFFF;
	_ =	strace $0x9FFFFFFF  }
0xc2: {  	(tm) =	ssettm $0x7FFFFFFF  }
0xc3: {  	_ =	shalt  }
tec
execute0_lowered:
.L_overlay_start_1:
0x0: {  	(tag) =	ssettag $0x1  }
0x1: {  	s0 =	rddreg [dreg:$0x0]  }
0x2: {  	s2 =	rddreg [dreg:$0x1];
	s3 =	simm.s32 $0x0;
	s1 =	srdreg.scid  }
0x3: {  	s4 =	stileid.u32;
	s20 =	simm.s32 $0x1000;
	s29 =	simm.s32 $0x0  }
0x4: {  	s17 =	simm.s32 $0x3C00;
	s19 =	simm.s32 $0x4400;
	s28 =	simm.s32 $0x4C00  }
0x5: {  	s14 =	simm.s32 $0x6400;
	s15 =	simm.s32 $0x6C00;
	s16 =	simm.s32 $0x7400  }
0x6: {  	s12 =	simm.s32 $0x9400;
	s13 =	simm.s32 $0x9C00;
	s21 =	simm.s32 $0xA400  }
0x7: {  	s18 =	simm.s32 $0xAC00;
	[smem:$0x7FF] =	sst s3;
	s1 =	sand.u32 $0x1, s1  }
0x8: {  	s4 =	sshll.u32 s4, $0x1;
	s5 =	sadd.s32 $0x1E00, s0;
	s22 =	sadd.s32 $0x2000, s0  }
0x9: {  	s0 =	sadd.s32 $0x2A600, s0;
	s7 =	sadd.s32 $0x100, s2;
	s4 =	sor.u32 s1, s4  }
0xa: {  	s8 =	sadd.s32 $0x200, s2;
	_ =	strace $0x80000047;
	s6 =	smul.u32 $0xA0, s4  }
0xb: {  	[dreg:$0x3] =	wrdreg s5;
	s1 =	ssub.s32 $0x2, s1;
	s4 =	smul.u32 $0x5000, s4  }
0xc: {  	s9 =	sadd.s32 $0x300, s2;
	[dreg:$0x4] =	wrdreg s22;
	s23 =	sshrl.u32 s1, $0x1  }
0xd: {  	s22 =	simm.s32 $0x7C00;
	s1 =	ssub.s32 s1, s23;
	s4 =	sadd.s32 s0, s4  }
0xe: {  	s23 =	simm.s32 $0x8400;
	s24 =	sadd.s32 $0x28, s6;
	[dreg:$0x5] =	wrdreg s4  }
0xf: {  	s10 =	sadd.s32 $0x50, s6;
	s26 =	sadd.s32 $0x78, s6;
	[dreg:$0xa] =	wrdreg s24  }
0x10: {  	s31 =	smax.u32 s1, $0x1;
	s1 =	simm.s32 $0x1;
	[dreg:$0xb] =	wrdreg s10  }
0x11: {  	s25 =	sshll.u32 s24, $0x7;
	s30 =	sshll.u32 s10, $0x7;
	[dreg:$0xc] =	wrdreg s26  }
0x12: {  	s5 =	sshll.u32 s26, $0x7;
	[dreg:$0x9] =	wrdreg s31;
	s4 =	sadd.s32 s0, s25  }
0x13: {  	v0 =	vlaneseq.u32;
	s24 =	simm.s32 $0xB400;
	[dreg:$0x6] =	wrdreg s4;
	s4 =	sadd.s32 s0, s30  }
0x14: {  	vm0 =	vmmov $0xffff;
	v2 =	vshrl.u32 v0, $0x3;
	s26 =	simm.s32 $0xC400;
	s0 =	sadd.s32 s0, s5;
	[dreg:$0x7] =	wrdreg s4  }
0x15: {  	v1 =	vand.u32 $0x7, v0;
	v3 =	vor.u32 $0x8, v0;
	v2 =	vmul.u32 $0x8, v2;
	s25 =	simm.s32 $0xBC00;
	[dreg:$0x8] =	wrdreg s0;
	s4 =	simm.s32 $0x3  }
.LBB2_1:
0x16: {  	s30 =	rddreg [dreg:$0x3];
	s0 =	simm.s32 $0x5  }
0x17: {  	[tilespmem:s3], [sflag:$0x5] =	stream.linear.gather [hbm4b:s30+s3], $0x800, $0x38;
	[tilespmem:$0x16400] =	vst v63  }
0x18: {  	_ =	swait.ge [sflag:s0], $0x800  }
0x19: {  	[sflag:s0] =	ssyncset.done $0x0  }
0x1a: {  	s31 =	simm.s32 $0x800;
	s30 =	rddreg [dreg:$0x4];
	[sflag:s0] =	ssyncadd.s32 $0xFFFFF800  }
0x1b: {  	[tilespmem:s31], [sflag:$0x5] =	stream.linear.gather [hbm4b:s30+s3], $0x800, $0x38;
	[tilespmem:$0x16400] =	vst v63  }
0x1c: {  	_ =	swait.ge [sflag:s0], $0x800  }
0x1d: {  	[sflag:s0] =	ssyncset.done $0x0  }
0x1e: {  	s30 =	simm.s32 $0x0;
	[sflag:s0] =	ssyncadd.s32 $0xFFFFF800  }
.LBB2_2:
0x1f: {  	p0 =	sne.s32 s30, $0x4FC0  }
.Ltmp0:
0x20: {  	_ = 	snop;
	(pc) =	sbr.rel @p0 .LBB2_2-.Ltmp0, $3  }
0x21: {  	_ =	sdelay $0x1  }
0x22: {  	s31 =	sshra.s32 s30, $0x2;
	v4 =	vimm.s32 $0x0  }
0x23: {  	s30 =	sadd.s32 $0x40, s30;
	[tilespmem:s31+$0x1000] =	vst v4  }
0x24: {  	s30 =	simm.s32 $0x0  }
0x25: {  	v5 =	vld [tilespmem:s30+$0x0];
	_ =	sdelay $0x5  }
0x26: {  	v6 =	vor.u32 v0, v4  }
0x27: {  	v6 =	vand.u32 $0x7FF, v6  }
0x28: {  	s31 =	simm.s32 $0x10;
	s30 =	simm.s32 $0x80;
	[tilespmem:v5+s20+$0x0] =	vst.idx.msk $0xffff, v6  }
.LBB2_4:
0x29: {  	p0 =	sne.s32 s30, $0x3FC0;
	v5 =	vld [tilespmem:s31+$0x0];
	_ =	sdelay $0x3  }
.Ltmp1:
0x2a: {  	(pc) =	sbr.rel @p0 .LBB2_4-.Ltmp1, $4  }
0x2b: {  	v4 =	vadd.s32 $0x10, v4  }
0x2c: {  	v6 =	vor.u32 v0, v4  }
0x2d: {  	v6 =	vand.u32 $0x7FF, v6  }
0x2e: {  	s31 =	sshra.s32 s30, $0x2;
	s30 =	sadd.s32 $0x40, s30;
	[tilespmem:v5+s20+$0x0] =	vst.idx.msk $0xffff, v6  }
0x2f: {  	v5 =	vld [tilespmem:s31+$0x0];
	_ =	sdelay $0x4  }
0x30: {  	v4 =	vadd.s32 $0x10, v4  }
0x31: {  	v4 =	vor.u32 v0, v4  }
0x32: {  	v4 =	vand.u32 $0x7FF, v4  }
0x33: {  	[tilespmem:v5+s20+$0x0] =	vst.idx.msk $0xffff, v4  }
0x34: {  	v4 =	vld [tilespmem:s6+$0x1000];
	_ =	sdelay $0x4  }
0x35: {  	v5 =	vshll.u32 v4, $0x3  }
0x36: {  	v4 =	vand.u32 $0x7, v4;
	v5 =	vand.u32 $0xFFFFFFC0, v5  }
0x37: {  	v4 =	vor.u32 v4, v5  }
0x38: {  	v5 =	vperm.xlane v4, v1;
	_ =	sdelay $0x1  }
0x39: {  	v5 =	vadd.s32 v2, v5;
	_ =	sdelay $0x3  }
0x3a: {  	s0 =	simm.s32 $0x2400  }
0x3b: {  	[tilespmem:s0], [sflag:$0x1] =	stream.indirect_vreg.gather [hbm4b:s2+s3], $0x80, v5, vm0, $0xb8;
	[tilespmem:$0x16400] =	vst v63  }
0x3c: {  	s31 =	simm.s32 $0x2C00;
	v4 =	vperm.xlane v4, v3  }
0x3d: {  	[tilespmem:s31], [sflag:$0x1] =	stream.indirect_vreg.gather [hbm4b:s7+s3], $0x80, v5, vm0, $0xb8;
	[tilespmem:$0x16400] =	vst v63  }
0x3e: {  	s11 =	simm.s32 $0x3400;
	v4 =	vadd.s32 v2, v4  }
0x3f: {  	[tilespmem:s11], [sflag:$0x1] =	stream.indirect_vreg.gather [hbm4b:s8+s3], $0x80, v5, vm0, $0xb8;
	[tilespmem:$0x16400] =	vst v63  }
0x40: {  	_ = 	snop  }
0x41: {  	[tilespmem:s17], [sflag:$0x1] =	stream.indirect_vreg.gather [hbm4b:s9+s3], $0x80, v5, vm0, $0xb8;
	[tilespmem:$0x16400] =	vst v63  }
0x42: {  	_ = 	snop  }
0x43: {  	[tilespmem:s19], [sflag:$0x1] =	stream.indirect_vreg.gather [hbm4b:s2+s3], $0x80, v4, vm0, $0xb8;
	[tilespmem:$0x16400] =	vst v63  }
0x44: {  	_ = 	snop  }
0x45: {  	[tilespmem:s28], [sflag:$0x1] =	stream.indirect_vreg.gather [hbm4b:s7+s3], $0x80, v4, vm0, $0xb8;
	[tilespmem:$0x16400] =	vst v63  }
0x46: {  	s5 =	simm.s32 $0x5400  }
0x47: {  	[tilespmem:s5], [sflag:$0x1] =	stream.indirect_vreg.gather [hbm4b:s8+s3], $0x80, v4, vm0, $0xb8;
	[tilespmem:$0x16400] =	vst v63  }
0x48: {  	s11 =	simm.s32 $0x5C00  }
0x49: {  	[tilespmem:s11], [sflag:$0x1] =	stream.indirect_vreg.gather [hbm4b:s9+s3], $0x80, v4, vm0, $0xb8;
	[tilespmem:$0x16400] =	vst v63  }
0x4a: {  	v4 =	vld [tilespmem:s6+$0x1010];
	_ =	sdelay $0x4  }
0x4b: {  	v5 =	vshll.u32 v4, $0x3  }
0x4c: {  	v4 =	vand.u32 $0x7, v4;
	v5 =	vand.u32 $0xFFFFFFC0, v5  }
0x4d: {  	v4 =	vor.u32 v4, v5  }
0x4e: {  	v5 =	vperm.xlane v4, v1;
	_ =	sdelay $0x1  }
0x4f: {  	v5 =	vadd.s32 v2, v5;
	_ =	sdelay $0x4  }
0x50: {  	[tilespmem:s14], [sflag:$0x1] =	stream.indirect_vreg.gather [hbm4b:s2+s3], $0x80, v5, vm0, $0xb8;
	[tilespmem:$0x16400] =	vst v63  }
0x51: {  	v4 =	vperm.xlane v4, v3  }
0x52: {  	[tilespmem:s15], [sflag:$0x1] =	stream.indirect_vreg.gather [hbm4b:s7+s3], $0x80, v5, vm0, $0xb8;
	[tilespmem:$0x16400] =	vst v63  }
0x53: {  	v4 =	vadd.s32 v2, v4  }
0x54: {  	[tilespmem:s16], [sflag:$0x1] =	stream.indirect_vreg.gather [hbm4b:s8+s3], $0x80, v5, vm0, $0xb8;
	[tilespmem:$0x16400] =	vst v63  }
0x55: {  	_ = 	snop  }
0x56: {  	[tilespmem:s22], [sflag:$0x1] =	stream.indirect_vreg.gather [hbm4b:s9+s3], $0x80, v5, vm0, $0xb8;
	[tilespmem:$0x16400] =	vst v63  }
0x57: {  	_ = 	snop  }
0x58: {  	[tilespmem:s23], [sflag:$0x1] =	stream.indirect_vreg.gather [hbm4b:s2+s3], $0x80, v4, vm0, $0xb8;
	[tilespmem:$0x16400] =	vst v63  }
0x59: {  	s10 =	simm.s32 $0x8C00  }
0x5a: {  	[tilespmem:s10], [sflag:$0x1] =	stream.indirect_vreg.gather [hbm4b:s7+s3], $0x80, v4, vm0, $0xb8;
	[tilespmem:$0x16400] =	vst v63  }
0x5b: {  	_ = 	snop  }
0x5c: {  	[tilespmem:s12], [sflag:$0x1] =	stream.indirect_vreg.gather [hbm4b:s8+s3], $0x80, v4, vm0, $0xb8;
	[tilespmem:$0x16400] =	vst v63  }
0x5d: {  	_ = 	snop  }
0x5e: {  	[tilespmem:s13], [sflag:$0x1] =	stream.indirect_vreg.gather [hbm4b:s9+s3], $0x80, v4, vm0, $0xb8;
	[tilespmem:$0x16400] =	vst v63  }
0x5f: {  	v4 =	vld.msk [tilespmem:s6+$0x1020], $0xff;
	_ =	sdelay $0x4  }
0x60: {  	v5 =	vshll.u32 v4, $0x3  }
0x61: {  	v4 =	vand.u32 $0x7, v4;
	v5 =	vand.u32 $0xFFFFFFC0, v5  }
0x62: {  	v4 =	vor.u32 v4, v5  }
0x63: {  	v4 =	vperm.xlane v4, v1;
	_ =	sdelay $0x1  }
0x64: {  	v4 =	vadd.s32 v2, v4;
	_ =	sdelay $0x4  }
0x65: {  	[tilespmem:s21], [sflag:$0x1] =	stream.indirect_vreg.gather [hbm4b:s2+s3], $0x80, v4, vm0, $0xb8;
	[tilespmem:$0x16400] =	vst v63  }
0x66: {  	_ = 	snop  }
0x67: {  	[tilespmem:s18], [sflag:$0x1] =	stream.indirect_vreg.gather [hbm4b:s7+s3], $0x80, v4, vm0, $0xb8;
	[tilespmem:$0x16400] =	vst v63  }
0x68: {  	_ = 	snop  }
0x69: {  	[tilespmem:s24], [sflag:$0x1] =	stream.indirect_vreg.gather [hbm4b:s8+s3], $0x80, v4, vm0, $0xb8;
	[tilespmem:$0x16400] =	vst v63  }
0x6a: {  	s30 =	rddreg [dreg:$0xa]  }
0x6b: {  	[tilespmem:s25], [sflag:$0x1] =	stream.indirect_vreg.gather [hbm4b:s9+s3], $0x80, v4, vm0, $0xb8;
	[tilespmem:$0x16400] =	vst v63  }
0x6c: {  	v4 =	vld [tilespmem:s30+$0x1000];
	_ =	sdelay $0x4  }
0x6d: {  	v5 =	vshll.u32 v4, $0x3  }
0x6e: {  	v4 =	vand.u32 $0x7, v4;
	v5 =	vand.u32 $0xFFFFFFC0, v5  }
0x6f: {  	v4 =	vor.u32 v4, v5  }
0x70: {  	v5 =	vperm.xlane v4, v1;
	_ =	sdelay $0x1  }
0x71: {  	v5 =	vadd.s32 v2, v5;
	_ =	sdelay $0x4  }
0x72: {  	[tilespmem:s26], [sflag:$0x2] =	stream.indirect_vreg.gather [hbm4b:s2+s3], $0x80, v5, vm0, $0xb8;
	[tilespmem:$0x16400] =	vst v63  }
0x73: {  	s0 =	simm.s32 $0xCC00;
	v4 =	vperm.xlane v4, v3  }
0x74: {  	[tilespmem:s0], [sflag:$0x2] =	stream.indirect_vreg.gather [hbm4b:s7+s3], $0x80, v5, vm0, $0xb8;
	[tilespmem:$0x16400] =	vst v63  }
0x75: {  	v4 =	vadd.s32 v2, v4;
	s0 =	simm.s32 $0xD400  }
0x76: {  	[tilespmem:s0], [sflag:$0x2] =	stream.indirect_vreg.gather [hbm4b:s8+s3], $0x80, v5, vm0, $0xb8;
	[tilespmem:$0x16400] =	vst v63  }
0x77: {  	s0 =	simm.s32 $0xDC00  }
0x78: {  	[tilespmem:s0], [sflag:$0x2] =	stream.indirect_vreg.gather [hbm4b:s9+s3], $0x80, v5, vm0, $0xb8;
	[tilespmem:$0x16400] =	vst v63  }
0x79: {  	s0 =	simm.s32 $0xE400  }
0x7a: {  	[tilespmem:s0], [sflag:$0x2] =	stream.indirect_vreg.gather [hbm4b:s2+s3], $0x80, v4, vm0, $0xb8;
	[tilespmem:$0x16400] =	vst v63  }
0x7b: {  	s0 =	simm.s32 $0xEC00  }
0x7c: {  	[tilespmem:s0], [sflag:$0x2] =	stream.indirect_vreg.gather [hbm4b:s7+s3], $0x80, v4, vm0, $0xb8;
	[tilespmem:$0x16400] =	vst v63  }
0x7d: {  	s0 =	simm.s32 $0xF400  }
0x7e: {  	[tilespmem:s0], [sflag:$0x2] =	stream.indirect_vreg.gather [hbm4b:s8+s3], $0x80, v4, vm0, $0xb8;
	[tilespmem:$0x16400] =	vst v63  }
0x7f: {  	s0 =	simm.s32 $0xFC00  }
0x80: {  	[tilespmem:s0], [sflag:$0x2] =	stream.indirect_vreg.gather [hbm4b:s9+s3], $0x80, v4, vm0, $0xb8;
	[tilespmem:$0x16400] =	vst v63  }
0x81: {  	v4 =	vld [tilespmem:s30+$0x1010];
	_ =	sdelay $0x4  }
0x82: {  	v5 =	vshll.u32 v4, $0x3  }
0x83: {  	v4 =	vand.u32 $0x7, v4;
	v5 =	vand.u32 $0xFFFFFFC0, v5  }
0x84: {  	v4 =	vor.u32 v4, v5  }
0x85: {  	v5 =	vperm.xlane v4, v1;
	_ =	sdelay $0x1  }
0x86: {  	v5 =	vadd.s32 v2, v5;
	_ =	sdelay $0x3  }
0x87: {  	s30 =	simm.s32 $0x10400  }
0x88: {  	[tilespmem:s30], [sflag:$0x2] =	stream.indirect_vreg.gather [hbm4b:s2+s3], $0x80, v5, vm0, $0xb8;
	[tilespmem:$0x16400] =	vst v63  }
0x89: {  	v4 =	vperm.xlane v4, v3;
	s30 =	simm.s32 $0x10C00  }
0x8a: {  	[tilespmem:s30], [sflag:$0x2] =	stream.indirect_vreg.gather [hbm4b:s7+s3], $0x80, v5, vm0, $0xb8;
	[tilespmem:$0x16400] =	vst v63  }
0x8b: {  	v4 =	vadd.s32 v2, v4;
	s30 =	simm.s32 $0x11400  }
0x8c: {  	[tilespmem:s30], [sflag:$0x2] =	stream.indirect_vreg.gather [hbm4b:s8+s3], $0x80, v5, vm0, $0xb8;
	[tilespmem:$0x16400] =	vst v63  }
0x8d: {  	s30 =	simm.s32 $0x11C00  }
0x8e: {  	[tilespmem:s30], [sflag:$0x2] =	stream.indirect_vreg.gather [hbm4b:s9+s3], $0x80, v5, vm0, $0xb8;
	[tilespmem:$0x16400] =	vst v63  }
0x8f: {  	s30 =	simm.s32 $0x12400  }
0x90: {  	[tilespmem:s30], [sflag:$0x2] =	stream.indirect_vreg.gather [hbm4b:s2+s3], $0x80, v4, vm0, $0xb8;
	[tilespmem:$0x16400] =	vst v63  }
0x91: {  	s30 =	simm.s32 $0x12C00  }
0x92: {  	[tilespmem:s30], [sflag:$0x2] =	stream.indirect_vreg.gather [hbm4b:s7+s3], $0x80, v4, vm0, $0xb8;
	[tilespmem:$0x16400] =	vst v63  }
0x93: {  	s30 =	simm.s32 $0x13400  }
0x94: {  	[tilespmem:s30], [sflag:$0x2] =	stream.indirect_vreg.gather [hbm4b:s8+s3], $0x80, v4, vm0, $0xb8;
	[tilespmem:$0x16400] =	vst v63  }
0x95: {  	s30 =	simm.s32 $0x13C00  }
0x96: {  	[tilespmem:s30], [sflag:$0x2] =	stream.indirect_vreg.gather [hbm4b:s9+s3], $0x80, v4, vm0, $0xb8;
	[tilespmem:$0x16400] =	vst v63  }
0x97: {  	v4 =	vld.msk [tilespmem:s6+$0x1048], $0xff;
	_ =	sdelay $0x4  }
0x98: {  	v5 =	vshll.u32 v4, $0x3  }
0x99: {  	v4 =	vand.u32 $0x7, v4;
	v5 =	vand.u32 $0xFFFFFFC0, v5  }
0x9a: {  	v4 =	vor.u32 v4, v5  }
0x9b: {  	v4 =	vperm.xlane v4, v1;
	_ =	sdelay $0x1  }
0x9c: {  	v4 =	vadd.s32 v2, v4;
	_ =	sdelay $0x3  }
0x9d: {  	s30 =	simm.s32 $0x14400  }
0x9e: {  	[tilespmem:s30], [sflag:$0x2] =	stream.indirect_vreg.gather [hbm4b:s2+s3], $0x80, v4, vm0, $0xb8;
	[tilespmem:$0x16400] =	vst v63  }
0x9f: {  	s30 =	simm.s32 $0x14C00  }
0xa0: {  	[tilespmem:s30], [sflag:$0x2] =	stream.indirect_vreg.gather [hbm4b:s7+s3], $0x80, v4, vm0, $0xb8;
	[tilespmem:$0x16400] =	vst v63  }
0xa1: {  	s30 =	simm.s32 $0x15400  }
0xa2: {  	[tilespmem:s30], [sflag:$0x2] =	stream.indirect_vreg.gather [hbm4b:s8+s3], $0x80, v4, vm0, $0xb8;
	[tilespmem:$0x16400] =	vst v63  }
0xa3: {  	s30 =	simm.s32 $0x15C00  }
0xa4: {  	[tilespmem:s30], [sflag:$0x2] =	stream.indirect_vreg.gather [hbm4b:s9+s3], $0x80, v4, vm0, $0xb8;
	[tilespmem:$0x16400] =	vst v63  }
0xa5: {  	_ =	swait.ge [sflag:s1], $0xA000  }
0xa6: {  	[sflag:s1] =	ssyncset.done $0x0  }
0xa7: {  	s0 =	simm.s32 $0x2400;
	s30 =	rddreg [dreg:$0x5];
	[sflag:s1] =	ssyncadd.s32 $0xFFFF6000  }
0xa8: {  	[hbm4b:s30+s3] =	stream.linear.scatter [tilespmem:s0], [sflag:$0x3], $0xA000, $0x38;
	[tilespmem:$0x16400] =	vst v63  }
0xa9: {  	_ =	swait.ge [sflag:s4], $0xA000  }
0xaa: {  	[sflag:s4] =	ssyncset.done $0x0  }
0xab: {  	s30 =	rddreg [dreg:$0xb];
	[sflag:s4] =	ssyncadd.s32 $0xFFFF6000  }
0xac: {  	v4 =	vld [tilespmem:s30+$0x1000];
	_ =	sdelay $0x4  }
0xad: {  	v5 =	vshll.u32 v4, $0x3  }
0xae: {  	v4 =	vand.u32 $0x7, v4;
	v5 =	vand.u32 $0xFFFFFFC0, v5  }
0xaf: {  	v4 =	vor.u32 v4, v5  }
0xb0: {  	v5 =	vperm.xlane v4, v1;
	_ =	sdelay $0x1  }
0xb1: {  	v5 =	vadd.s32 v2, v5;
	_ =	sdelay $0x4  }
0xb2: {  	[tilespmem:s0], [sflag:$0x1] =	stream.indirect_vreg.gather [hbm4b:s2+s3], $0x80, v5, vm0, $0xb8;
	[tilespmem:$0x16400] =	vst v63  }
0xb3: {  	v4 =	vperm.xlane v4, v3  }
0xb4: {  	[tilespmem:s31], [sflag:$0x1] =	stream.indirect_vreg.gather [hbm4b:s7+s3], $0x80, v5, vm0, $0xb8;
	[tilespmem:$0x16400] =	vst v63  }
0xb5: {  	v4 =	vadd.s32 v2, v4;
	s31 =	simm.s32 $0x3400  }
0xb6: {  	[tilespmem:s31], [sflag:$0x1] =	stream.indirect_vreg.gather [hbm4b:s8+s3], $0x80, v5, vm0, $0xb8;
	[tilespmem:$0x16400] =	vst v63  }
0xb7: {  	_ = 	snop  }
0xb8: {  	[tilespmem:s17], [sflag:$0x1] =	stream.indirect_vreg.gather [hbm4b:s9+s3], $0x80, v5, vm0, $0xb8;
	[tilespmem:$0x16400] =	vst v63  }
0xb9: {  	_ = 	snop  }
0xba: {  	[tilespmem:s19], [sflag:$0x1] =	stream.indirect_vreg.gather [hbm4b:s2+s3], $0x80, v4, vm0, $0xb8;
	[tilespmem:$0x16400] =	vst v63  }
0xbb: {  	_ = 	snop  }
0xbc: {  	[tilespmem:s28], [sflag:$0x1] =	stream.indirect_vreg.gather [hbm4b:s7+s3], $0x80, v4, vm0, $0xb8;
	[tilespmem:$0x16400] =	vst v63  }
0xbd: {  	_ = 	snop  }
0xbe: {  	[tilespmem:s5], [sflag:$0x1] =	stream.indirect_vreg.gather [hbm4b:s8+s3], $0x80, v4, vm0, $0xb8;
	[tilespmem:$0x16400] =	vst v63  }
0xbf: {  	_ = 	snop  }
0xc0: {  	[tilespmem:s11], [sflag:$0x1] =	stream.indirect_vreg.gather [hbm4b:s9+s3], $0x80, v4, vm0, $0xb8;
	[tilespmem:$0x16400] =	vst v63  }
0xc1: {  	v4 =	vld [tilespmem:s30+$0x1010];
	_ =	sdelay $0x4  }
0xc2: {  	v5 =	vshll.u32 v4, $0x3  }
0xc3: {  	v4 =	vand.u32 $0x7, v4;
	v5 =	vand.u32 $0xFFFFFFC0, v5  }
0xc4: {  	v4 =	vor.u32 v4, v5  }
0xc5: {  	v5 =	vperm.xlane v4, v1;
	_ =	sdelay $0x1  }
0xc6: {  	v5 =	vadd.s32 v2, v5;
	_ =	sdelay $0x4  }
0xc7: {  	[tilespmem:s14], [sflag:$0x1] =	stream.indirect_vreg.gather [hbm4b:s2+s3], $0x80, v5, vm0, $0xb8;
	[tilespmem:$0x16400] =	vst v63  }
0xc8: {  	v4 =	vperm.xlane v4, v3  }
0xc9: {  	[tilespmem:s15], [sflag:$0x1] =	stream.indirect_vreg.gather [hbm4b:s7+s3], $0x80, v5, vm0, $0xb8;
	[tilespmem:$0x16400] =	vst v63  }
0xca: {  	v4 =	vadd.s32 v2, v4  }
0xcb: {  	[tilespmem:s16], [sflag:$0x1] =	stream.indirect_vreg.gather [hbm4b:s8+s3], $0x80, v5, vm0, $0xb8;
	[tilespmem:$0x16400] =	vst v63  }
0xcc: {  	_ = 	snop  }
0xcd: {  	[tilespmem:s22], [sflag:$0x1] =	stream.indirect_vreg.gather [hbm4b:s9+s3], $0x80, v5, vm0, $0xb8;
	[tilespmem:$0x16400] =	vst v63  }
0xce: {  	_ = 	snop  }
0xcf: {  	[tilespmem:s23], [sflag:$0x1] =	stream.indirect_vreg.gather [hbm4b:s2+s3], $0x80, v4, vm0, $0xb8;
	[tilespmem:$0x16400] =	vst v63  }
0xd0: {  	_ = 	snop  }
0xd1: {  	[tilespmem:s10], [sflag:$0x1] =	stream.indirect_vreg.gather [hbm4b:s7+s3], $0x80, v4, vm0, $0xb8;
	[tilespmem:$0x16400] =	vst v63  }
0xd2: {  	_ = 	snop  }
0xd3: {  	[tilespmem:s12], [sflag:$0x1] =	stream.indirect_vreg.gather [hbm4b:s8+s3], $0x80, v4, vm0, $0xb8;
	[tilespmem:$0x16400] =	vst v63  }
0xd4: {  	_ = 	snop  }
0xd5: {  	[tilespmem:s13], [sflag:$0x1] =	stream.indirect_vreg.gather [hbm4b:s9+s3], $0x80, v4, vm0, $0xb8;
	[tilespmem:$0x16400] =	vst v63  }
0xd6: {  	v4 =	vld.msk [tilespmem:s6+$0x1070], $0xff;
	_ =	sdelay $0x4  }
0xd7: {  	v5 =	vshll.u32 v4, $0x3  }
0xd8: {  	v4 =	vand.u32 $0x7, v4;
	v5 =	vand.u32 $0xFFFFFFC0, v5  }
0xd9: {  	v4 =	vor.u32 v4, v5  }
0xda: {  	v4 =	vperm.xlane v4, v1;
	_ =	sdelay $0x1  }
0xdb: {  	v4 =	vadd.s32 v2, v4;
	_ =	sdelay $0x4  }
0xdc: {  	[tilespmem:s21], [sflag:$0x1] =	stream.indirect_vreg.gather [hbm4b:s2+s3], $0x80, v4, vm0, $0xb8;
	[tilespmem:$0x16400] =	vst v63  }
0xdd: {  	_ = 	snop  }
0xde: {  	[tilespmem:s18], [sflag:$0x1] =	stream.indirect_vreg.gather [hbm4b:s7+s3], $0x80, v4, vm0, $0xb8;
	[tilespmem:$0x16400] =	vst v63  }
0xdf: {  	_ = 	snop  }
0xe0: {  	[tilespmem:s24], [sflag:$0x1] =	stream.indirect_vreg.gather [hbm4b:s8+s3], $0x80, v4, vm0, $0xb8;
	[tilespmem:$0x16400] =	vst v63  }
0xe1: {  	s5 =	simm.s32 $0x2  }
0xe2: {  	[tilespmem:s25], [sflag:$0x1] =	stream.indirect_vreg.gather [hbm4b:s9+s3], $0x80, v4, vm0, $0xb8;
	[tilespmem:$0x16400] =	vst v63  }
0xe3: {  	_ =	swait.ge [sflag:s5], $0xA000  }
0xe4: {  	[sflag:s5] =	ssyncset.done $0x0  }
0xe5: {  	s10 =	simm.s32 $0x4;
	s11 =	rddreg [dreg:$0x6];
	[sflag:s5] =	ssyncadd.s32 $0xFFFF6000  }
0xe6: {  	[hbm4b:s11+s3] =	stream.linear.scatter [tilespmem:s26], [sflag:$0x4], $0xA000, $0x38;
	[tilespmem:$0x16400] =	vst v63  }
0xe7: {  	_ =	swait.ge [sflag:s10], $0xA000  }
0xe8: {  	[sflag:s10] =	ssyncset.done $0x0  }
0xe9: {  	s0 =	rddreg [dreg:$0xc];
	[sflag:s10] =	ssyncadd.s32 $0xFFFF6000  }
0xea: {  	v4 =	vld [tilespmem:s0+$0x1000];
	_ =	sdelay $0x4  }
0xeb: {  	v5 =	vshll.u32 v4, $0x3  }
0xec: {  	v4 =	vand.u32 $0x7, v4;
	v5 =	vand.u32 $0xFFFFFFC0, v5  }
0xed: {  	v4 =	vor.u32 v4, v5  }
0xee: {  	v5 =	vperm.xlane v4, v1;
	_ =	sdelay $0x1  }
0xef: {  	v5 =	vadd.s32 v2, v5;
	_ =	sdelay $0x4  }
0xf0: {  	[tilespmem:s26], [sflag:$0x2] =	stream.indirect_vreg.gather [hbm4b:s2+s3], $0x80, v5, vm0, $0xb8;
	[tilespmem:$0x16400] =	vst v63  }
0xf1: {  	s31 =	simm.s32 $0xCC00;
	v4 =	vperm.xlane v4, v3  }
0xf2: {  	[tilespmem:s31], [sflag:$0x2] =	stream.indirect_vreg.gather [hbm4b:s7+s3], $0x80, v5, vm0, $0xb8;
	[tilespmem:$0x16400] =	vst v63  }
0xf3: {  	s30 =	simm.s32 $0xD400;
	v4 =	vadd.s32 v2, v4  }
0xf4: {  	[tilespmem:s30], [sflag:$0x2] =	stream.indirect_vreg.gather [hbm4b:s8+s3], $0x80, v5, vm0, $0xb8;
	[tilespmem:$0x16400] =	vst v63  }
0xf5: {  	s31 =	simm.s32 $0xDC00  }
0xf6: {  	[tilespmem:s31], [sflag:$0x2] =	stream.indirect_vreg.gather [hbm4b:s9+s3], $0x80, v5, vm0, $0xb8;
	[tilespmem:$0x16400] =	vst v63  }
0xf7: {  	s30 =	simm.s32 $0xE400  }
0xf8: {  	[tilespmem:s30], [sflag:$0x2] =	stream.indirect_vreg.gather [hbm4b:s2+s3], $0x80, v4, vm0, $0xb8;
	[tilespmem:$0x16400] =	vst v63  }
0xf9: {  	s31 =	simm.s32 $0xEC00  }
0xfa: {  	[tilespmem:s31], [sflag:$0x2] =	stream.indirect_vreg.gather [hbm4b:s7+s3], $0x80, v4, vm0, $0xb8;
	[tilespmem:$0x16400] =	vst v63  }
0xfb: {  	s30 =	simm.s32 $0xF400  }
0xfc: {  	[tilespmem:s30], [sflag:$0x2] =	stream.indirect_vreg.gather [hbm4b:s8+s3], $0x80, v4, vm0, $0xb8;
	[tilespmem:$0x16400] =	vst v63  }
0xfd: {  	s31 =	simm.s32 $0xFC00  }
0xfe: {  	[tilespmem:s31], [sflag:$0x2] =	stream.indirect_vreg.gather [hbm4b:s9+s3], $0x80, v4, vm0, $0xb8;
	[tilespmem:$0x16400] =	vst v63  }
0xff: {  	v4 =	vld [tilespmem:s0+$0x1010];
	_ =	sdelay $0x4  }
0x100: {  	v5 =	vshll.u32 v4, $0x3  }
0x101: {  	v4 =	vand.u32 $0x7, v4;
	v5 =	vand.u32 $0xFFFFFFC0, v5  }
0x102: {  	v4 =	vor.u32 v4, v5  }
0x103: {  	v5 =	vperm.xlane v4, v1;
	_ =	sdelay $0x1  }
0x104: {  	v5 =	vadd.s32 v2, v5;
	_ =	sdelay $0x3  }
0x105: {  	s11 =	simm.s32 $0x10400  }
0x106: {  	[tilespmem:s11], [sflag:$0x2] =	stream.indirect_vreg.gather [hbm4b:s2+s3], $0x80, v5, vm0, $0xb8;
	[tilespmem:$0x16400] =	vst v63  }
0x107: {  	s30 =	simm.s32 $0x10C00;
	v4 =	vperm.xlane v4, v3  }
0x108: {  	[tilespmem:s30], [sflag:$0x2] =	stream.indirect_vreg.gather [hbm4b:s7+s3], $0x80, v5, vm0, $0xb8;
	[tilespmem:$0x16400] =	vst v63  }
0x109: {  	s31 =	simm.s32 $0x11400;
	v4 =	vadd.s32 v2, v4  }
0x10a: {  	[tilespmem:s31], [sflag:$0x2] =	stream.indirect_vreg.gather [hbm4b:s8+s3], $0x80, v5, vm0, $0xb8;
	[tilespmem:$0x16400] =	vst v63  }
0x10b: {  	s11 =	simm.s32 $0x11C00  }
0x10c: {  	[tilespmem:s11], [sflag:$0x2] =	stream.indirect_vreg.gather [hbm4b:s9+s3], $0x80, v5, vm0, $0xb8;
	[tilespmem:$0x16400] =	vst v63  }
0x10d: {  	s30 =	simm.s32 $0x12400  }
0x10e: {  	[tilespmem:s30], [sflag:$0x2] =	stream.indirect_vreg.gather [hbm4b:s2+s3], $0x80, v4, vm0, $0xb8;
	[tilespmem:$0x16400] =	vst v63  }
0x10f: {  	s31 =	simm.s32 $0x12C00  }
0x110: {  	[tilespmem:s31], [sflag:$0x2] =	stream.indirect_vreg.gather [hbm4b:s7+s3], $0x80, v4, vm0, $0xb8;
	[tilespmem:$0x16400] =	vst v63  }
0x111: {  	s11 =	simm.s32 $0x13400  }
0x112: {  	[tilespmem:s11], [sflag:$0x2] =	stream.indirect_vreg.gather [hbm4b:s8+s3], $0x80, v4, vm0, $0xb8;
	[tilespmem:$0x16400] =	vst v63  }
0x113: {  	s30 =	simm.s32 $0x13C00  }
0x114: {  	[tilespmem:s30], [sflag:$0x2] =	stream.indirect_vreg.gather [hbm4b:s9+s3], $0x80, v4, vm0, $0xb8;
	[tilespmem:$0x16400] =	vst v63  }
0x115: {  	v4 =	vld.msk [tilespmem:s6+$0x1098], $0xff;
	_ =	sdelay $0x4  }
0x116: {  	v5 =	vshll.u32 v4, $0x3  }
0x117: {  	v4 =	vand.u32 $0x7, v4;
	v5 =	vand.u32 $0xFFFFFFC0, v5  }
0x118: {  	v4 =	vor.u32 v4, v5  }
0x119: {  	v4 =	vperm.xlane v4, v1;
	_ =	sdelay $0x1  }
0x11a: {  	v4 =	vadd.s32 v2, v4;
	_ =	sdelay $0x3  }
0x11b: {  	s31 =	simm.s32 $0x14400  }
0x11c: {  	[tilespmem:s31], [sflag:$0x2] =	stream.indirect_vreg.gather [hbm4b:s2+s3], $0x80, v4, vm0, $0xb8;
	[tilespmem:$0x16400] =	vst v63  }
0x11d: {  	s11 =	simm.s32 $0x14C00  }
0x11e: {  	[tilespmem:s11], [sflag:$0x2] =	stream.indirect_vreg.gather [hbm4b:s7+s3], $0x80, v4, vm0, $0xb8;
	[tilespmem:$0x16400] =	vst v63  }
0x11f: {  	s30 =	simm.s32 $0x15400  }
0x120: {  	[tilespmem:s30], [sflag:$0x2] =	stream.indirect_vreg.gather [hbm4b:s8+s3], $0x80, v4, vm0, $0xb8;
	[tilespmem:$0x16400] =	vst v63  }
0x121: {  	s31 =	simm.s32 $0x15C00  }
0x122: {  	[tilespmem:s31], [sflag:$0x2] =	stream.indirect_vreg.gather [hbm4b:s9+s3], $0x80, v4, vm0, $0xb8;
	[tilespmem:$0x16400] =	vst v63  }
0x123: {  	_ =	swait.ge [sflag:s1], $0xA000  }
0x124: {  	[sflag:s1] =	ssyncset.done $0x0  }
0x125: {  	s31 =	simm.s32 $0x2400;
	s11 =	rddreg [dreg:$0x7];
	[sflag:s1] =	ssyncadd.s32 $0xFFFF6000  }
0x126: {  	[hbm4b:s11+s3] =	stream.linear.scatter [tilespmem:s31], [sflag:$0x3], $0xA000, $0x38;
	[tilespmem:$0x16400] =	vst v63  }
0x127: {  	_ =	swait.ge [sflag:s5], $0xA000  }
0x128: {  	[sflag:s5] =	ssyncset.done $0x0  }
0x129: {  	s11 =	rddreg [dreg:$0x8];
	[sflag:s5] =	ssyncadd.s32 $0xFFFF6000  }
0x12a: {  	[hbm4b:s11+s3] =	stream.linear.scatter [tilespmem:s26], [sflag:$0x4], $0xA000, $0x38;
	[tilespmem:$0x16400] =	vst v63  }
0x12b: {  	_ =	swait.ge [sflag:s4], $0xA000  }
0x12c: {  	[sflag:s4] =	ssyncset.done $0x0  }
0x12d: {  	[sflag:s4] =	ssyncadd.s32 $0xFFFF6000  }
0x12e: {  	_ =	swait.ge [sflag:s10], $0xA000  }
0x12f: {  	s29 =	sadd.s32 $0x1, s29;
	s31 =	rddreg [dreg:$0x9]  }
0x130: {  	p0 =	sne.s32 s29, s31  }
.Ltmp2:
0x131: {  	_ = 	snop;
	(pc) =	sbr.rel @p0 .LBB2_1-.Ltmp2, $3  }
0x132: {  	_ =	sdelay $0x1  }
0x133: {  	[sflag:s10] =	ssyncset.done $0x0  }
0x134: {  	[sflag:s10] =	ssyncadd.s32 $0xFFFF6000  }
0x135: {  	_ =	sfence.sel $0x180000  }
0x136: {  	[bflag:$0x0] =	sbarrier.arrive $0xFFFF  }
0x137: {  	_ =	strace $0x90000047  }
0x138: {  	s0 =	stileid.u32;
	[bflag:$0x2] =	sbarrier.arrive $0xFFFF  }
0x139: {  	p0 =	sne.s32 s0, $0x0;
	s0 =	rddreg [dreg:$0x2]  }
0x13a: {  	s0 =	sadd.s32 @!p0 $0x100000, s0  }
0x13b: {  	[sflag:s0] =	ssyncadd.tile.s32 @!p0 $0x1;
	_ =	shalt  }
.Lfunc_end2:
_tile_overlayer_lowered:
.L_overlay_start_2:
0x13c: {  	(tag) =	ssettag $0x2  }
0x13d: {  	s0 =	rddreg [dreg:$0x0];
	s2 =	stileid.u32  }
0x13e: {  	s1 =	rddreg [dreg:$0x1];
	p0 =	sne.s32 s2, $0x0  }
0x13f: {  	s3 =	rddreg [dreg:$0x2];
	[bflag:$0x3] =	sbarrier.arrive $0xFFFF;
	s2 =	simm.s32 @!p0 $0x1C05  }
0x140: {  	[timem:s3], [sflag:s2] =	dma.local @!p0 [hbm:s0], s1  }
0x141: {  	s0 =	simm.s32 @!p0 $0x5  }
0x142: {  	_ =	swait.ge @!p0 [sflag:s0], s1  }
0x143: {  	s1 =	ssub.s32 @!p0 $0x0, s1;
	[sflag:s0] =	ssyncset.done @!p0 $0x0  }
0x144: {  	[sflag:s0] =	ssyncadd.s32 @!p0 s1  }
0x145: {  	[bflag:$0x3] =	sbarrier.arrive $0xFFFF  }
0x146: {  	_ =	shalt  }

</sc_bundles>
